<compile_context>
chip_gen: v7x
topology: tpu7x:2x2x1
jax: 0.10.2.dev20260603
libtpu: 0.0.44.dev20260713+nightly
codegen_flags: <defaults>
</compile_context>

<pallas_src>
import math
import functools

import jax
import jax.numpy as jnp
from jax.experimental import pallas as pl
from jax.experimental.pallas import tpu as pltpu
from jax.experimental.pallas import tpu_sc as plsc

B, L = 1, 2048
D_MODEL, D_KEY, D_QUERY, N_HEADS = 768, 64, 64, 8
RANK, RFF_DIM, K_MAX = 32, 64, 8
LSH_BUCKETS, LSH_BANDWIDTH, LSH_KEY_DIM, N_LSH_HASHES = 8, 16.0, 64, 2
NB = LSH_BUCKETS ** N_LSH_HASHES
NC = NB * K_MAX
RFF_SCALE = math.sqrt(2.0 / RFF_DIM)
SIM_SCALE = math.sqrt(RFF_DIM)
CHUNK = 256
N_WORKERS = 32
GB = (N_HEADS * NC) // N_WORKERS


def _hash_digits(x, lshv):
    xb = (jax.lax.bitcast_convert_type(x, jnp.int32) > 0).astype(jnp.float32)
    proj = jnp.dot(xb, lshv, preferred_element_type=jnp.float32)
    return jnp.floor(proj / LSH_BANDWIDTH) % LSH_BUCKETS


def _combine(width, scale=1.0):
    r = jax.lax.broadcasted_iota(jnp.int32, (N_LSH_HASHES, width), 0)
    return jnp.where(r == 0, scale * LSH_BUCKETS, scale).astype(jnp.float32)


def _key_kernel(xk_ref, xv_ref, wk_ref, bk_ref, wv_ref, bv_ref, omega_ref,
                rffb_ref, lsh_ref, krv_ref, idx_ref, cnt_ref):
    hid = pl.program_id(0)
    kh = jnp.dot(xk_ref[...], wk_ref[0],
                 preferred_element_type=jnp.float32) + bk_ref[0]
    vh = jnp.dot(xv_ref[...], wv_ref[0],
                 preferred_element_type=jnp.float32) + bv_ref[0]
    lshv = lsh_ref[0]

    hk = _hash_digits(kh, lshv)
    ck_bc64 = jnp.dot(hk, _combine(NB),
                      preferred_element_type=jnp.float32)
    ck8_bc = jnp.dot(hk, _combine(NC, scale=float(K_MAX)),
                     preferred_element_type=jnp.float32)

    iota64 = jax.lax.broadcasted_iota(jnp.int32, (L, NB), 1)
    onehot = (ck_bc64.astype(jnp.int32) == iota64).astype(jnp.float32)
    tril = (jax.lax.broadcasted_iota(jnp.int32, (CHUNK, CHUNK), 0)
            >= jax.lax.broadcasted_iota(jnp.int32, (CHUNK, CHUNK), 1)
            ).astype(jnp.float32)
    counts = jnp.zeros((1, NB), jnp.float32)
    ranks = []
    for c in range(L // CHUNK):
        blk = onehot[c * CHUNK:(c + 1) * CHUNK]
        csum = jnp.dot(tril, blk, preferred_element_type=jnp.float32) + counts
        ranks.append(jnp.sum(csum * blk, axis=1, keepdims=True))
        counts = counts + jnp.sum(blk, axis=0, keepdims=True)
    rank = jnp.concatenate(ranks, axis=0)

    slotfix = jnp.where(rank <= K_MAX, rank - 1.0, 4.0 * NC)
    ones_row = jnp.full((1, NC), 1.0, jnp.float32)
    slot_bc = ck8_bc + jnp.dot(slotfix, ones_row,
                               preferred_element_type=jnp.float32)
    col = jax.lax.broadcasted_iota(jnp.int32, (L, NC), 1)
    sel = (slot_bc.astype(jnp.int32) == col).astype(jnp.float32)
    j_row = jax.lax.broadcasted_iota(jnp.int32, (1, L), 1).astype(jnp.float32)
    key_of_slot = jnp.dot(j_row, sel,
                          preferred_element_type=jnp.float32)

    kr = jnp.cos(jnp.dot(kh, omega_ref[0],
                         preferred_element_type=jnp.float32)
                 + rffb_ref[0])
    krv_ref[0] = jnp.concatenate([kr, vh], axis=1)
    idx_ref[0] = key_of_slot.astype(jnp.int32) + hid * L
    cnt_ref[0] = counts


def _query_kernel(xq_ref, wq_ref, bq_ref, omega_ref, rffb_ref, lsh_ref,
                  qr_ref, hq_ref):
    qh = jnp.dot(xq_ref[...], wq_ref[0],
                 preferred_element_type=jnp.float32) + bq_ref[0]
    qr_ref[0] = jnp.cos(jnp.dot(qh, omega_ref[0],
                                preferred_element_type=jnp.float32)
                        + rffb_ref[0]) * (RFF_SCALE * RFF_SCALE / SIM_SCALE)
    hq_ref[0] = _hash_digits(qh, lsh_ref[0])


def _sc_gather(krv_all, idx):
    mesh = plsc.VectorSubcoreMesh(core_axis_name="c", subcore_axis_name="s")
    n_rows = N_HEADS * NC

    @functools.partial(
        pl.kernel, mesh=mesh,
        out_type=jax.ShapeDtypeStruct((n_rows, 2 * D_KEY), jnp.float32),
        scratch_types=[pltpu.VMEM((GB,), jnp.int32),
                       pltpu.VMEM((GB, 2 * D_KEY), jnp.float32),
                       pltpu.SemaphoreType.DMA],
    )
    def k(krv_hbm, idx_hbm, o_hbm, idx_v, rows_v, sem):
        wid = jax.lax.axis_index("s") * 2 + jax.lax.axis_index("c")
        base = wid * GB
        pltpu.sync_copy(idx_hbm.at[pl.ds(base, GB)], idx_v)
        pltpu.async_copy(krv_hbm.at[idx_v], rows_v, sem).wait()
        pltpu.sync_copy(rows_v, o_hbm.at[pl.ds(base, GB)])

    return k(krv_all, idx)


def _attn_kernel(qr_ref, hq_ref, krvt_ref, cnt_ref, uv_ref,
                 vv_ref, wo_ref, bo_ref, o_ref):
    hid = pl.program_id(0)
    qr = qr_ref[0]
    krvt = krvt_ref[0]
    krt = krvt[:, :D_KEY]
    cvt = krvt[:, D_KEY:]
    counts = cnt_ref[0]

    rowb = (jax.lax.broadcasted_iota(jnp.int32, (NC, NB), 0) >> 3)
    expand_r = (rowb == jax.lax.broadcasted_iota(jnp.int32, (NC, NB), 1)
                ).astype(jnp.float32)
    cnt_rows = jax.lax.dot_general(expand_r, counts,
                                   (((1,), (1,)), ((), ())),
                                   preferred_element_type=jnp.float32)
    slot_rows = (jax.lax.broadcasted_iota(jnp.int32, (NC, 1), 0)
                 % K_MAX).astype(jnp.float32)
    occ_rows = cnt_rows > slot_rows
    cv_safe = jnp.where(occ_rows, cvt, 0.0)

    col_row = jax.lax.broadcasted_iota(jnp.int32, (1, NC), 1)
    expand_c = (jax.lax.broadcasted_iota(jnp.int32, (NB, NC), 0)
                == jax.lax.broadcasted_iota(jnp.int32, (NB, NC), 1) // K_MAX
                ).astype(jnp.float32)
    cnt_col = jnp.dot(counts, expand_c, preferred_element_type=jnp.float32)
    ctab = jnp.where(cnt_col > (col_row % K_MAX).astype(jnp.float32),
                     col_row >> 3, -1)

    cq_bc = jnp.dot(hq_ref[0], _combine(NC),
                    preferred_element_type=jnp.float32)
    sim = jax.lax.dot_general(qr, krt, (((1,), (1,)), ((), ())),
                              preferred_element_type=jnp.float32)
    simm = jnp.where(cq_bc.astype(jnp.int32) == ctab, sim, -jnp.inf)
    m = jnp.max(simm, axis=1, keepdims=True)
    p = jnp.exp(simm - m)
    wvu = jnp.dot(p, cv_safe, preferred_element_type=jnp.float32)
    wv = wvu * (1.0 / jnp.sum(p, axis=1, keepdims=True))
    r = jnp.dot(wv, uv_ref[0], preferred_element_type=jnp.float32)

    n = jnp.dot(vv_ref[0], wo_ref[...], preferred_element_type=jnp.float32)
    acc = jnp.dot(r, n, preferred_element_type=jnp.float32)

    @pl.when(hid == 0)
    def _():
        o_ref[...] = acc + bo_ref[...]

    @pl.when(hid != 0)
    def _():
        o_ref[...] += acc


def _head_spec(d2, d3):
    return pl.BlockSpec((1, d2, d3), lambda h: (h, 0, 0))


@jax.jit
def kernel(query, key, value, Wq, bq, Wk, bk, Wv, bv, Uv, Vv, omega,
           rff_bias, lsh_vecs, Wo, bo):
    x_q = query.reshape(L, D_MODEL)
    x_k = key.reshape(L, D_MODEL)
    x_v = value.reshape(L, D_MODEL)
    wq_t = Wq.reshape(D_MODEL, N_HEADS, D_QUERY).transpose(1, 0, 2)
    wk_t = Wk.reshape(D_MODEL, N_HEADS, D_KEY).transpose(1, 0, 2)
    wv_t = Wv.reshape(D_MODEL, N_HEADS, D_KEY).transpose(1, 0, 2)
    bq3 = bq.reshape(N_HEADS, 1, D_QUERY)
    bk3 = bk.reshape(N_HEADS, 1, D_KEY)
    bv3 = bv.reshape(N_HEADS, 1, D_KEY)
    bo2 = bo.reshape(1, -1)
    rffb3 = rff_bias.reshape(N_HEADS, 1, RFF_DIM)

    krv_all, idx, cnts = pl.pallas_call(
        _key_kernel,
        grid=(N_HEADS,),
        in_specs=[
            pl.BlockSpec((L, D_MODEL), lambda h: (0, 0)),
            pl.BlockSpec((L, D_MODEL), lambda h: (0, 0)),
            _head_spec(D_MODEL, D_KEY),
            _head_spec(1, D_KEY),
            _head_spec(D_MODEL, D_KEY),
            _head_spec(1, D_KEY),
            _head_spec(D_KEY, RFF_DIM),
            _head_spec(1, RFF_DIM),
            _head_spec(LSH_KEY_DIM, N_LSH_HASHES),
        ],
        out_specs=[
            pl.BlockSpec((1, L, 2 * D_KEY), lambda h: (h, 0, 0)),
            pl.BlockSpec((1, 1, NC), lambda h: (h, 0, 0)),
            pl.BlockSpec((1, 1, NB), lambda h: (h, 0, 0)),
        ],
        out_shape=[
            jax.ShapeDtypeStruct((N_HEADS, L, 2 * D_KEY), jnp.float32),
            jax.ShapeDtypeStruct((N_HEADS, 1, NC), jnp.int32),
            jax.ShapeDtypeStruct((N_HEADS, 1, NB), jnp.float32),
        ],
        compiler_params=pltpu.CompilerParams(
            fuse_transposed_lhs_in_matmul=True),
    )(x_k, x_v, wk_t, bk3, wv_t, bv3, omega, rffb3, lsh_vecs)

    krvt = _sc_gather(krv_all.reshape(N_HEADS * L, 2 * D_KEY),
                      idx.reshape(N_HEADS * NC))
    krvt = krvt.reshape(N_HEADS, NC, 2 * D_KEY)

    qr, hq = pl.pallas_call(
        _query_kernel,
        grid=(N_HEADS,),
        in_specs=[
            pl.BlockSpec((L, D_MODEL), lambda h: (0, 0)),
            _head_spec(D_MODEL, D_QUERY),
            _head_spec(1, D_QUERY),
            _head_spec(D_KEY, RFF_DIM),
            _head_spec(1, RFF_DIM),
            _head_spec(LSH_KEY_DIM, N_LSH_HASHES),
        ],
        out_specs=[
            pl.BlockSpec((1, L, D_KEY), lambda h: (h, 0, 0)),
            pl.BlockSpec((1, L, N_LSH_HASHES), lambda h: (h, 0, 0)),
        ],
        out_shape=[
            jax.ShapeDtypeStruct((N_HEADS, L, D_KEY), jnp.float32),
            jax.ShapeDtypeStruct((N_HEADS, L, N_LSH_HASHES), jnp.float32),
        ],
    )(x_q, wq_t, bq3, omega, rffb3, lsh_vecs)

    out = pl.pallas_call(
        _attn_kernel,
        grid=(N_HEADS,),
        in_specs=[
            pl.BlockSpec((1, L, D_KEY), lambda h: (h, 0, 0)),
            pl.BlockSpec((1, L, N_LSH_HASHES), lambda h: (h, 0, 0)),
            pl.BlockSpec((1, NC, 2 * D_KEY), lambda h: (h, 0, 0)),
            _head_spec(1, NB),
            _head_spec(D_KEY, RANK),
            _head_spec(RANK, D_MODEL),
            pl.BlockSpec((D_MODEL, D_MODEL), lambda h: (h, 0)),
            pl.BlockSpec((1, D_MODEL), lambda h: (0, 0)),
        ],
        out_specs=pl.BlockSpec((L, D_MODEL), lambda h: (0, 0)),
        out_shape=jax.ShapeDtypeStruct((L, D_MODEL), jnp.float32),
    )(qr, hq, krvt, cnts, Uv, Vv, Wo, bo2)

    return out.reshape(B, L, D_MODEL)

# --- scband reference (transcript-rebuilt; emitter-appended) ---
"""Pipeline reference for scband-fast-attention-83571473645963 (READ-ONLY COPY).

The authoritative reference and input builder live on the scoring server;
editing this copy changes nothing except your own understanding.
"""

import jax, jax.numpy as jnp
import numpy as np
import math

B, L = 1, 2048
D_MODEL, D_KEY, D_QUERY, N_HEADS = 768, 64, 64, 8
RANK, RFF_DIM, K_MAX = 32, 64, 8
LSH_BUCKETS, LSH_BANDWIDTH, LSH_KEY_DIM, N_LSH_HASHES = 8, 16.0, 64, 2


def setup_inputs(seed: int = 0) -> dict:
    key = jax.random.key(seed)
    ks = jax.random.split(key, 20)
    inp = {}
    inp['query'] = jax.random.normal(ks[0], (B, L, D_MODEL), jnp.float32)
    inp['key'] = jax.random.normal(ks[1], (B, L, D_MODEL), jnp.float32)
    inp['value'] = jax.random.normal(ks[2], (B, L, D_MODEL), jnp.float32)
    inp['Wq'] = jax.random.normal(ks[3], (D_MODEL, D_QUERY * N_HEADS), jnp.float32) * 0.02
    inp['bq'] = jnp.zeros((D_QUERY * N_HEADS,), jnp.float32)
    inp['Wk'] = jax.random.normal(ks[4], (D_MODEL, D_KEY * N_HEADS), jnp.float32) * 0.02
    inp['bk'] = jnp.zeros((D_KEY * N_HEADS,), jnp.float32)
    inp['Wv'] = jax.random.normal(ks[5], (D_MODEL, D_KEY * N_HEADS), jnp.float32) * 0.02
    inp['bv'] = jnp.zeros((D_KEY * N_HEADS,), jnp.float32)
    inp['Uv'] = jax.random.normal(ks[6], (N_HEADS, D_KEY, RANK), jnp.float32) / math.sqrt(RANK)
    inp['Vv'] = jax.random.normal(ks[7], (N_HEADS, RANK, D_MODEL), jnp.float32) / math.sqrt(RANK)
    inp['omega'] = jax.random.normal(ks[8], (N_HEADS, D_KEY, RFF_DIM), jnp.float32)
    inp['rff_bias'] = jax.random.uniform(ks[9], (N_HEADS, RFF_DIM), jnp.float32) * 2.0 * math.pi
    inp['lsh_vecs'] = jax.random.normal(ks[10], (N_HEADS, LSH_KEY_DIM, N_LSH_HASHES), jnp.float32)
    inp['Wo'] = jax.random.normal(ks[11], (D_MODEL * N_HEADS, D_MODEL), jnp.float32) * 0.02
    inp['bo'] = jnp.zeros((D_MODEL,), jnp.float32)
    return inp


def _lsh_hash(x, vecs):
    xb = (x > 0).astype(jnp.float32)
    proj = xb @ vecs
    return jnp.floor(proj / LSH_BANDWIDTH) % LSH_BUCKETS


def reference(query, key, value, Wq, bq, Wk, bk, Wv, bv, Uv, Vv, omega, rff_bias, lsh_vecs, Wo, bo):
    q = (query @ Wq + bq).reshape(B, L, N_HEADS, D_QUERY).transpose(0, 2, 1, 3)
    k = (key @ Wk + bk).reshape(B, L, N_HEADS, D_KEY).transpose(0, 2, 1, 3)
    v = (value @ Wv + bv).reshape(B, L, N_HEADS, D_KEY).transpose(0, 2, 1, 3)
    rff_scale = math.sqrt(2.0 / RFF_DIM)
    sim_scale = math.sqrt(RFF_DIM)  # optimized_sqrt(power of 2) == sqrt
    jpos = jnp.arange(L)
    bi = jnp.arange(B)[:, None, None]
    head_outs = []
    for h in range(N_HEADS):
        qh, kh, vh = q[:, h], k[:, h], v[:, h]
        qhash = _lsh_hash(qh, lsh_vecs[h])
        khash = _lsh_hash(kh, lsh_vecs[h])
        eq = jnp.all(qhash[:, :, None, :] == khash[:, None, :, :], axis=-1)  # B,L,L
        # first K_MAX matches in increasing j order == top-k of (L - j) over matches
        score = jnp.where(eq, (L - jpos)[None, None, :], 0)
        vals, idxs = jax.lax.top_k(score, K_MAX)
        candidates = jnp.where(vals > 0, idxs, -1)
        cand_mask = candidates != -1
        safe = jnp.where(cand_mask, candidates, 0)
        ck = kh[bi, safe]  # B,L,K,D_KEY
        cv = vh[bi, safe]  # B,L,K,D_KEY
        qr = jnp.cos(qh @ omega[h] + rff_bias[h]) * rff_scale  # B,L,RFF
        kr = jnp.cos(ck @ omega[h] + rff_bias[h]) * rff_scale  # B,L,K,RFF
        sim = jnp.einsum('blr,blkr->blk', qr, kr) / sim_scale
        sim = jnp.where(cand_mask, sim, -jnp.inf)
        attn = jax.nn.softmax(sim, axis=-1)  # dropout p=0.0 -> identity
        cvu = (cv @ Uv[h]) @ Vv[h]  # B,L,K,D_MODEL (low-rank up-projection)
        head_outs.append(jnp.sum(attn[..., None] * cvu, axis=2))
    concat = jnp.concatenate(head_outs, axis=-1)
    out = concat @ Wo + bo  # dropout p=0.0 -> identity
    return out

if __name__ == "__main__":
    import jax
    _d = setup_inputs()
    print(jax.jit(kernel)(*tuple(_d.values())))

</pallas_src>

<mosaic_0001>
#map = affine_map<(d0, d1) -> (0, 0)>
#map1 = affine_map<(d0, d1) -> (0)>
module attributes {stable_mosaic.version = 14 : i64} {
  func.func @k(%arg0: i32, %arg1: i32, %arg2: memref<16384x128xf32, #tpu.memory_space<hbm>>, %arg3: memref<4096xi32, #tpu.memory_space<hbm>>, %arg4: memref<4096x128xf32, #tpu.memory_space<hbm>>, %arg5: memref<128xi32, #tpu.memory_space<vmem>>, %arg6: memref<128x128xf32, #tpu.memory_space<vmem>>, %arg7: memref<!tpu.dma_semaphore, #tpu.memory_space<semaphore_mem>>) attributes {dimension_semantics = [#tpu.dimension_semantics<core_parallel>, #tpu.dimension_semantics<subcore_parallel>], iteration_bounds = array<i64: 2, 16>, scalar_prefetch = 0 : i64, scratch_operands = 3 : i64, tpu.core_type = #tpu.core_type<sc_vector_subcore>, window_params = [{transform_indices = #map}, {transform_indices = #map1}, {transform_indices = #map}]} {
    %mul3A = arith.constant 2 : i32
    %mul3A_0 = arith.muli %arg1, %mul3A : i32
    %add3A = arith.addi %mul3A_0, %arg0 : i32
    %mul3A_1 = arith.constant 128 : i32
    %mul3A_2 = arith.muli %add3A, %mul3A_1 : i32
    "tpu.region"() ({
      %run_scoped3A = tpu.sem_alloc : memref<!tpu.dma_semaphore, #tpu.memory_space<semaphore_mem>>
      %dma_start3A_7 = tpu.memref_slice %arg3[%mul3A_2] : memref<4096xi32, #tpu.memory_space<hbm>> -> memref<128xi32, #tpu.memory_space<hbm>>
      %dma_start3A_8 = tpu.memref_slice %arg3[%mul3A_2] : memref<4096xi32, #tpu.memory_space<hbm>> -> memref<128xi32, #tpu.memory_space<hbm>>
      tpu.enqueue_dma source(%dma_start3A_8 : memref<128xi32, #tpu.memory_space<hbm>>) target(%arg5 : memref<128xi32, #tpu.memory_space<vmem>>) target_semaphore(%run_scoped3A : memref<!tpu.dma_semaphore, #tpu.memory_space<semaphore_mem>>)
      %dma_wait3A_9 = tpu.memref_slice %arg3[%mul3A_2] : memref<4096xi32, #tpu.memory_space<hbm>> -> memref<128xi32, #tpu.memory_space<hbm>>
      %dma_wait3A_10 = tpu.memref_slice %arg3[%mul3A_2] : memref<4096xi32, #tpu.memory_space<hbm>> -> memref<128xi32, #tpu.memory_space<hbm>>
      tpu.wait_dma2 semaphore(%run_scoped3A : memref<!tpu.dma_semaphore, #tpu.memory_space<semaphore_mem>>) src(%dma_wait3A_10 : memref<128xi32, #tpu.memory_space<hbm>>) dst(%arg5 : memref<128xi32, #tpu.memory_space<vmem>>)
      tpu.yield
    }) : () -> ()
    %dma_start3A = arith.constant 0 : i32
    %dma_start3A_3 = arith.constant 0 : i32
    %dma_start3A_4 = tpu.memref_slice %arg2[%dma_start3A, %dma_start3A_3] : memref<16384x128xf32, #tpu.memory_space<hbm>> -> memref<16384x128xf32, #tpu.memory_space<hbm>>
    tpu.enqueue_indirect_dma source(%dma_start3A_4 : memref<16384x128xf32, #tpu.memory_space<hbm>>) target(%arg6 : memref<128x128xf32, #tpu.memory_space<vmem>>) offsets(%arg5 : memref<128xi32, #tpu.memory_space<vmem>>) semaphore(%arg7 : memref<!tpu.dma_semaphore, #tpu.memory_space<semaphore_mem>>)
    %dma_wait3A = arith.constant 0 : i32
    %dma_wait3A_5 = arith.constant 0 : i32
    %dma_wait3A_6 = tpu.memref_slice %arg2[%dma_wait3A, %dma_wait3A_5] : memref<16384x128xf32, #tpu.memory_space<hbm>> -> memref<16384x128xf32, #tpu.memory_space<hbm>>
    tpu.wait_indirect_dma semaphore(%arg7 : memref<!tpu.dma_semaphore, #tpu.memory_space<semaphore_mem>>) src(%dma_wait3A_6 : memref<16384x128xf32, #tpu.memory_space<hbm>>) dst(%arg6 : memref<128x128xf32, #tpu.memory_space<vmem>>)
    "tpu.region"() ({
      %run_scoped3A = tpu.sem_alloc : memref<!tpu.dma_semaphore, #tpu.memory_space<semaphore_mem>>
      %dma_start3A_7 = arith.constant 0 : i32
      %dma_start3A_8 = tpu.memref_slice %arg4[%mul3A_2, %dma_start3A_7] : memref<4096x128xf32, #tpu.memory_space<hbm>> -> memref<128x128xf32, #tpu.memory_space<hbm>>
      %dma_start3A_9 = arith.constant 0 : i32
      %dma_start3A_10 = tpu.memref_slice %arg4[%mul3A_2, %dma_start3A_9] : memref<4096x128xf32, #tpu.memory_space<hbm>> -> memref<128x128xf32, #tpu.memory_space<hbm>>
      tpu.enqueue_dma source(%arg6 : memref<128x128xf32, #tpu.memory_space<vmem>>) target(%dma_start3A_10 : memref<128x128xf32, #tpu.memory_space<hbm>>) target_semaphore(%run_scoped3A : memref<!tpu.dma_semaphore, #tpu.memory_space<semaphore_mem>>)
      %dma_wait3A_11 = arith.constant 0 : i32
      %dma_wait3A_12 = tpu.memref_slice %arg4[%mul3A_2, %dma_wait3A_11] : memref<4096x128xf32, #tpu.memory_space<hbm>> -> memref<128x128xf32, #tpu.memory_space<hbm>>
      %dma_wait3A_13 = arith.constant 0 : i32
      %dma_wait3A_14 = tpu.memref_slice %arg4[%mul3A_2, %dma_wait3A_13] : memref<4096x128xf32, #tpu.memory_space<hbm>> -> memref<128x128xf32, #tpu.memory_space<hbm>>
      tpu.wait_dma2 semaphore(%run_scoped3A : memref<!tpu.dma_semaphore, #tpu.memory_space<semaphore_mem>>) src(%arg6 : memref<128x128xf32, #tpu.memory_space<vmem>>) dst(%dma_wait3A_14 : memref<128x128xf32, #tpu.memory_space<hbm>>)
      tpu.yield
    }) : () -> ()
    return
  }
}

module attributes {stable_mosaic.version = 14 : i64} {
  func.func @_key_kernel(%arg0: i32, %arg1: memref<2048x768xf32, #tpu.memory_space<vmem>>, %arg2: memref<2048x768xf32, #tpu.memory_space<vmem>>, %arg3: memref<1x768x64xf32, #tpu.memory_space<vmem>>, %arg4: memref<1x1x64xf32, #tpu.memory_space<vmem>>, %arg5: memref<1x768x64xf32, #tpu.memory_space<vmem>>, %arg6: memref<1x1x64xf32, #tpu.memory_space<vmem>>, %arg7: memref<1x64x64xf32, #tpu.memory_space<vmem>>, %arg8: memref<1x1x64xf32, #tpu.memory_space<vmem>>, %arg9: memref<1x64x2xf32, #tpu.memory_space<vmem>>, %arg10: memref<1x2048x128xf32, #tpu.memory_space<vmem>>, %arg11: memref<1x1x512xi32, #tpu.memory_space<vmem>>, %arg12: memref<1x1x64xf32, #tpu.memory_space<vmem>>) attributes {dimension_semantics = [#tpu.dimension_semantics<arbitrary>], iteration_bounds = array<i64: 8>, scalar_prefetch = 0 : i64, scratch_operands = 0 : i64, tpu.core_type = #tpu.core_type<tc>, window_params = [{pipeline_mode = #tpu.pipeline_mode<synchronous>, transform_indices = @transform_0, window_bounds = array<i64: 2048, 768>}, {pipeline_mode = #tpu.pipeline_mode<synchronous>, transform_indices = @transform_1, window_bounds = array<i64: 2048, 768>}, {transform_indices = @transform_2, window_bounds = array<i64: 1, 768, 64>}, {transform_indices = @transform_3, window_bounds = array<i64: 1, 1, 64>}, {transform_indices = @transform_4, window_bounds = array<i64: 1, 768, 64>}, {transform_indices = @transform_5, window_bounds = array<i64: 1, 1, 64>}, {transform_indices = @transform_6, window_bounds = array<i64: 1, 64, 64>}, {transform_indices = @transform_7, window_bounds = array<i64: 1, 1, 64>}, {transform_indices = @transform_8, window_bounds = array<i64: 1, 64, 2>}, {transform_indices = @transform_9, window_bounds = array<i64: 1, 2048, 128>}, {transform_indices = @transform_10, window_bounds = array<i64: 1, 1, 512>}, {transform_indices = @transform_11, window_bounds = array<i64: 1, 1, 64>}]} {
    %get3A = arith.constant 0 : index
    %get3A_0 = arith.constant 0 : index
    %get3A_1 = vector.load %arg1[%get3A, %get3A_0] : memref<2048x768xf32, #tpu.memory_space<vmem>>, vector<2048x768xf32>
    %get3A_2 = arith.constant 0 : index
    %get3A_3 = arith.constant 0 : index
    %get3A_4 = arith.constant 0 : index
    %get3A_5 = vector.load %arg3[%get3A_2, %get3A_3, %get3A_4] : memref<1x768x64xf32, #tpu.memory_space<vmem>>, vector<1x768x64xf32>
    %get3A_6 = vector.shape_cast %get3A_5 : vector<1x768x64xf32> to vector<768x64xf32>
    %dot_general3A = arith.constant dense<0.000000e+00> : vector<2048x64xf32>
    %dot_general3A_7 = tpu.matmul %get3A_1, %get3A_6, %dot_general3A {dimension_numbers = #tpu.dot_dimension_numbers<[1], [0], [0], [1], [0, 0, 1, 1], [], []>, transpose_lhs_hint = false} : vector<2048x768xf32>, vector<768x64xf32>, vector<2048x64xf32> -> vector<2048x64xf32>
    %get3A_8 = arith.constant 0 : index
    %get3A_9 = arith.constant 0 : index
    %get3A_10 = arith.constant 0 : index
    %get3A_11 = vector.load %arg4[%get3A_8, %get3A_9, %get3A_10] : memref<1x1x64xf32, #tpu.memory_space<vmem>>, vector<1x1x64xf32>
    %get3A_12 = vector.shape_cast %get3A_11 : vector<1x1x64xf32> to vector<1x64xf32>
    %add3A = vector.broadcast %get3A_12 : vector<1x64xf32> to vector<2048x64xf32>
    %add3A_13 = arith.addf %dot_general3A_7, %add3A : vector<2048x64xf32>
    %get3A_14 = arith.constant 0 : index
    %get3A_15 = arith.constant 0 : index
    %get3A_16 = vector.load %arg2[%get3A_14, %get3A_15] : memref<2048x768xf32, #tpu.memory_space<vmem>>, vector<2048x768xf32>
    %get3A_17 = arith.constant 0 : index
    %get3A_18 = arith.constant 0 : index
    %get3A_19 = arith.constant 0 : index
    %get3A_20 = vector.load %arg5[%get3A_17, %get3A_18, %get3A_19] : memref<1x768x64xf32, #tpu.memory_space<vmem>>, vector<1x768x64xf32>
    %get3A_21 = vector.shape_cast %get3A_20 : vector<1x768x64xf32> to vector<768x64xf32>
    %dot_general3A_22 = arith.constant dense<0.000000e+00> : vector<2048x64xf32>
    %dot_general3A_23 = tpu.matmul %get3A_16, %get3A_21, %dot_general3A_22 {dimension_numbers = #tpu.dot_dimension_numbers<[1], [0], [0], [1], [0, 0, 1, 1], [], []>, transpose_lhs_hint = false} : vector<2048x768xf32>, vector<768x64xf32>, vector<2048x64xf32> -> vector<2048x64xf32>
    %get3A_24 = arith.constant 0 : index
    %get3A_25 = arith.constant 0 : index
    %get3A_26 = arith.constant 0 : index
    %get3A_27 = vector.load %arg6[%get3A_24, %get3A_25, %get3A_26] : memref<1x1x64xf32, #tpu.memory_space<vmem>>, vector<1x1x64xf32>
    %get3A_28 = vector.shape_cast %get3A_27 : vector<1x1x64xf32> to vector<1x64xf32>
    %add3A_29 = vector.broadcast %get3A_28 : vector<1x64xf32> to vector<2048x64xf32>
    %add3A_30 = arith.addf %dot_general3A_23, %add3A_29 : vector<2048x64xf32>
    %get3A_31 = arith.constant 0 : index
    %get3A_32 = arith.constant 0 : index
    %get3A_33 = arith.constant 0 : index
    %get3A_34 = vector.load %arg9[%get3A_31, %get3A_32, %get3A_33] : memref<1x64x2xf32, #tpu.memory_space<vmem>>, vector<1x64x2xf32>
    %get3A_35 = vector.shape_cast %get3A_34 : vector<1x64x2xf32> to vector<64x2xf32>
    %bitcast_convert_type3A = tpu.bitcast %add3A_13 : vector<2048x64xf32> -> vector<2048x64xi32>
    %gt3A = arith.constant 0 : i32
    %gt3A_36 = vector.broadcast %gt3A : i32 to vector<2048x64xi32>
    %gt3A_37 = arith.cmpi sgt, %bitcast_convert_type3A, %gt3A_36 : vector<2048x64xi32>
    %convert_element_type3A = arith.extui %gt3A_37 : vector<2048x64xi1> to vector<2048x64xi32>
    %convert_element_type3A_38 = arith.sitofp %convert_element_type3A : vector<2048x64xi32> to vector<2048x64xf32>
    %dot_general3A_39 = arith.constant dense<0.000000e+00> : vector<2048x2xf32>
    %dot_general3A_40 = tpu.matmul %convert_element_type3A_38, %get3A_35, %dot_general3A_39 {dimension_numbers = #tpu.dot_dimension_numbers<[1], [0], [0], [1], [0, 0, 1, 1], [], []>, transpose_lhs_hint = false} : vector<2048x64xf32>, vector<64x2xf32>, vector<2048x2xf32> -> vector<2048x2xf32>
    %div3A = arith.constant 1.600000e+01 : f32
    %div3A_41 = vector.broadcast %div3A : f32 to vector<2048x2xf32>
    %div3A_42 = arith.divf %dot_general3A_40, %div3A_41 : vector<2048x2xf32>
    %floor3A = math.floor %div3A_42 : vector<2048x2xf32>
    %jit3A = arith.constant 8 : i32
    %convert_element_type3A_43 = arith.sitofp %jit3A : i32 to f32
    %rem3A = vector.broadcast %convert_element_type3A_43 : f32 to vector<2048x2xf32>
    %rem3A_44 = arith.remf %floor3A, %rem3A : vector<2048x2xf32>
    %ne3A = arith.constant 0.000000e+00 : f32
    %ne3A_45 = vector.broadcast %ne3A : f32 to vector<2048x2xf32>
    %ne3A_46 = arith.cmpf one, %rem3A_44, %ne3A_45 : vector<2048x2xf32>
    %lt3A = arith.constant 0.000000e+00 : f32
    %lt3A_47 = vector.broadcast %lt3A : f32 to vector<2048x2xf32>
    %lt3A_48 = arith.cmpf olt, %rem3A_44, %lt3A_47 : vector<2048x2xf32>
    %lt3A_49 = arith.constant 0.000000e+00 : f32
    %lt3A_50 = arith.cmpf olt, %convert_element_type3A_43, %lt3A_49 : f32
    %ne3A_51 = vector.broadcast %lt3A_50 : i1 to vector<2048x2xi1>
    %ne3A_52 = vector.broadcast %ne3A_51 : vector<2048x2xi1> to vector<2048x2xi1>
    %ne3A_53 = arith.xori %lt3A_48, %ne3A_52 : vector<2048x2xi1>
    %and3A = arith.andi %ne3A_53, %ne3A_46 : vector<2048x2xi1>
    %add3A_54 = vector.broadcast %convert_element_type3A_43 : f32 to vector<2048x2xf32>
    %add3A_55 = arith.addf %rem3A_44, %add3A_54 : vector<2048x2xf32>
    %select_n3A = arith.select %and3A, %add3A_55, %rem3A_44 : vector<2048x2xi1>, vector<2048x2xf32>
    %iota3A = tpu.iota {dimensions = array<i32: 0>} : vector<2x64xi32>
    %eq3A = arith.constant 0 : i32
    %eq3A_56 = vector.broadcast %eq3A : i32 to vector<2x64xi32>
    %eq3A_57 = arith.cmpi eq, %iota3A, %eq3A_56 : vector<2x64xi32>
    %jit3A_58 = arith.constant 8.000000e+00 : f32
    %jit3A_59 = arith.constant 1.000000e+00 : f32
    %broadcast_in_dim3A = vector.broadcast %jit3A_58 : f32 to vector<2x64xf32>
    %broadcast_in_dim3A_60 = vector.broadcast %jit3A_59 : f32 to vector<2x64xf32>
    %select_n3A_61 = arith.select %eq3A_57, %broadcast_in_dim3A, %broadcast_in_dim3A_60 : vector<2x64xi1>, vector<2x64xf32>
    %dot_general3A_62 = arith.constant dense<0.000000e+00> : vector<2048x64xf32>
    %dot_general3A_63 = tpu.matmul %select_n3A, %select_n3A_61, %dot_general3A_62 {dimension_numbers = #tpu.dot_dimension_numbers<[1], [0], [0], [1], [0, 0, 1, 1], [], []>, transpose_lhs_hint = false} : vector<2048x2xf32>, vector<2x64xf32>, vector<2048x64xf32> -> vector<2048x64xf32>
    %iota3A_64 = tpu.iota {dimensions = array<i32: 0>} : vector<2x512xi32>
    %eq3A_65 = arith.constant 0 : i32
    %eq3A_66 = vector.broadcast %eq3A_65 : i32 to vector<2x512xi32>
    %eq3A_67 = arith.cmpi eq, %iota3A_64, %eq3A_66 : vector<2x512xi32>
    %jit3A_68 = arith.constant 6.400000e+01 : f32
    %jit3A_69 = arith.constant 8.000000e+00 : f32
    %broadcast_in_dim3A_70 = vector.broadcast %jit3A_68 : f32 to vector<2x512xf32>
    %broadcast_in_dim3A_71 = vector.broadcast %jit3A_69 : f32 to vector<2x512xf32>
    %select_n3A_72 = arith.select %eq3A_67, %broadcast_in_dim3A_70, %broadcast_in_dim3A_71 : vector<2x512xi1>, vector<2x512xf32>
    %dot_general3A_73 = arith.constant dense<0.000000e+00> : vector<2048x512xf32>
    %dot_general3A_74 = tpu.matmul %select_n3A, %select_n3A_72, %dot_general3A_73 {dimension_numbers = #tpu.dot_dimension_numbers<[1], [0], [0], [1], [0, 0, 1, 1], [], []>, transpose_lhs_hint = false} : vector<2048x2xf32>, vector<2x512xf32>, vector<2048x512xf32> -> vector<2048x512xf32>
    %iota3A_75 = tpu.iota {dimensions = array<i32: 1>} : vector<2048x64xi32>
    %convert_element_type3A_76 = arith.fptosi %dot_general3A_63 : vector<2048x64xf32> to vector<2048x64xi32>
    %eq3A_77 = arith.cmpi eq, %convert_element_type3A_76, %iota3A_75 : vector<2048x64xi32>
    %convert_element_type3A_78 = arith.extui %eq3A_77 : vector<2048x64xi1> to vector<2048x64xi32>
    %convert_element_type3A_79 = arith.sitofp %convert_element_type3A_78 : vector<2048x64xi32> to vector<2048x64xf32>
    %iota3A_80 = tpu.iota {dimensions = array<i32: 0>} : vector<256x256xi32>
    %iota3A_81 = tpu.iota {dimensions = array<i32: 1>} : vector<256x256xi32>
    %ge3A = arith.cmpi sge, %iota3A_80, %iota3A_81 : vector<256x256xi32>
    %convert_element_type3A_82 = arith.extui %ge3A : vector<256x256xi1> to vector<256x256xi32>
    %convert_element_type3A_83 = arith.sitofp %convert_element_type3A_82 : vector<256x256xi32> to vector<256x256xf32>
    %broadcast_in_dim3A_84 = arith.constant 0.000000e+00 : f32
    %broadcast_in_dim3A_85 = vector.broadcast %broadcast_in_dim3A_84 : f32 to vector<1x64xf32>
    %slice3A = vector.extract_strided_slice %convert_element_type3A_79 {offsets = [0, 0], sizes = [256, 64], strides = [1, 1]} : vector<2048x64xf32> to vector<256x64xf32>
    %dot_general3A_86 = arith.constant dense<0.000000e+00> : vector<256x64xf32>
    %dot_general3A_87 = tpu.matmul %convert_element_type3A_83, %slice3A, %dot_general3A_86 {dimension_numbers = #tpu.dot_dimension_numbers<[1], [0], [0], [1], [0, 0, 1, 1], [], []>, transpose_lhs_hint = false} : vector<256x256xf32>, vector<256x64xf32>, vector<256x64xf32> -> vector<256x64xf32>
    %add3A_88 = vector.broadcast %broadcast_in_dim3A_85 : vector<1x64xf32> to vector<256x64xf32>
    %add3A_89 = arith.addf %dot_general3A_87, %add3A_88 : vector<256x64xf32>
    %mul3A = arith.mulf %add3A_89, %slice3A : vector<256x64xf32>
    %reduce_sum3A = arith.constant dense<0.000000e+00> : vector<256xf32>
    %reduce_sum3A_90 = vector.multi_reduction <add>, %mul3A, %reduce_sum3A [1] : vector<256x64xf32> to vector<256xf32>
    %broadcast_in_dim3A_91 = vector.shape_cast %reduce_sum3A_90 : vector<256xf32> to vector<256x1xf32>
    %reduce_sum3A_92 = arith.constant dense<0.000000e+00> : vector<64xf32>
    %reduce_sum3A_93 = vector.multi_reduction <add>, %slice3A, %reduce_sum3A_92 [0] : vector<256x64xf32> to vector<64xf32>
    %broadcast_in_dim3A_94 = vector.shape_cast %reduce_sum3A_93 : vector<64xf32> to vector<1x64xf32>
    %add3A_95 = arith.addf %broadcast_in_dim3A_85, %broadcast_in_dim3A_94 : vector<1x64xf32>
    %slice3A_96 = vector.extract_strided_slice %convert_element_type3A_79 {offsets = [256, 0], sizes = [256, 64], strides = [1, 1]} : vector<2048x64xf32> to vector<256x64xf32>
    %dot_general3A_97 = arith.constant dense<0.000000e+00> : vector<256x64xf32>
    %dot_general3A_98 = tpu.matmul %convert_element_type3A_83, %slice3A_96, %dot_general3A_97 {dimension_numbers = #tpu.dot_dimension_numbers<[1], [0], [0], [1], [0, 0, 1, 1], [], []>, transpose_lhs_hint = false} : vector<256x256xf32>, vector<256x64xf32>, vector<256x64xf32> -> vector<256x64xf32>
    %add3A_99 = vector.broadcast %add3A_95 : vector<1x64xf32> to vector<256x64xf32>
    %add3A_100 = arith.addf %dot_general3A_98, %add3A_99 : vector<256x64xf32>
    %mul3A_101 = arith.mulf %add3A_100, %slice3A_96 : vector<256x64xf32>
    %reduce_sum3A_102 = arith.constant dense<0.000000e+00> : vector<256xf32>
    %reduce_sum3A_103 = vector.multi_reduction <add>, %mul3A_101, %reduce_sum3A_102 [1] : vector<256x64xf32> to vector<256xf32>
    %broadcast_in_dim3A_104 = vector.shape_cast %reduce_sum3A_103 : vector<256xf32> to vector<256x1xf32>
    %reduce_sum3A_105 = arith.constant dense<0.000000e+00> : vector<64xf32>
    %reduce_sum3A_106 = vector.multi_reduction <add>, %slice3A_96, %reduce_sum3A_105 [0] : vector<256x64xf32> to vector<64xf32>
    %broadcast_in_dim3A_107 = vector.shape_cast %reduce_sum3A_106 : vector<64xf32> to vector<1x64xf32>
    %add3A_108 = arith.addf %add3A_95, %broadcast_in_dim3A_107 : vector<1x64xf32>
    %slice3A_109 = vector.extract_strided_slice %convert_element_type3A_79 {offsets = [512, 0], sizes = [256, 64], strides = [1, 1]} : vector<2048x64xf32> to vector<256x64xf32>
    %dot_general3A_110 = arith.constant dense<0.000000e+00> : vector<256x64xf32>
    %dot_general3A_111 = tpu.matmul %convert_element_type3A_83, %slice3A_109, %dot_general3A_110 {dimension_numbers = #tpu.dot_dimension_numbers<[1], [0], [0], [1], [0, 0, 1, 1], [], []>, transpose_lhs_hint = false} : vector<256x256xf32>, vector<256x64xf32>, vector<256x64xf32> -> vector<256x64xf32>
    %add3A_112 = vector.broadcast %add3A_108 : vector<1x64xf32> to vector<256x64xf32>
    %add3A_113 = arith.addf %dot_general3A_111, %add3A_112 : vector<256x64xf32>
    %mul3A_114 = arith.mulf %add3A_113, %slice3A_109 : vector<256x64xf32>
    %reduce_sum3A_115 = arith.constant dense<0.000000e+00> : vector<256xf32>
    %reduce_sum3A_116 = vector.multi_reduction <add>, %mul3A_114, %reduce_sum3A_115 [1] : vector<256x64xf32> to vector<256xf32>
    %broadcast_in_dim3A_117 = vector.shape_cast %reduce_sum3A_116 : vector<256xf32> to vector<256x1xf32>
    %reduce_sum3A_118 = arith.constant dense<0.000000e+00> : vector<64xf32>
    %reduce_sum3A_119 = vector.multi_reduction <add>, %slice3A_109, %reduce_sum3A_118 [0] : vector<256x64xf32> to vector<64xf32>
    %broadcast_in_dim3A_120 = vector.shape_cast %reduce_sum3A_119 : vector<64xf32> to vector<1x64xf32>
    %add3A_121 = arith.addf %add3A_108, %broadcast_in_dim3A_120 : vector<1x64xf32>
    %slice3A_122 = vector.extract_strided_slice %convert_element_type3A_79 {offsets = [768, 0], sizes = [256, 64], strides = [1, 1]} : vector<2048x64xf32> to vector<256x64xf32>
    %dot_general3A_123 = arith.constant dense<0.000000e+00> : vector<256x64xf32>
    %dot_general3A_124 = tpu.matmul %convert_element_type3A_83, %slice3A_122, %dot_general3A_123 {dimension_numbers = #tpu.dot_dimension_numbers<[1], [0], [0], [1], [0, 0, 1, 1], [], []>, transpose_lhs_hint = false} : vector<256x256xf32>, vector<256x64xf32>, vector<256x64xf32> -> vector<256x64xf32>
    %add3A_125 = vector.broadcast %add3A_121 : vector<1x64xf32> to vector<256x64xf32>
    %add3A_126 = arith.addf %dot_general3A_124, %add3A_125 : vector<256x64xf32>
    %mul3A_127 = arith.mulf %add3A_126, %slice3A_122 : vector<256x64xf32>
    %reduce_sum3A_128 = arith.constant dense<0.000000e+00> : vector<256xf32>
    %reduce_sum3A_129 = vector.multi_reduction <add>, %mul3A_127, %reduce_sum3A_128 [1] : vector<256x64xf32> to vector<256xf32>
    %broadcast_in_dim3A_130 = vector.shape_cast %reduce_sum3A_129 : vector<256xf32> to vector<256x1xf32>
    %reduce_sum3A_131 = arith.constant dense<0.000000e+00> : vector<64xf32>
    %reduce_sum3A_132 = vector.multi_reduction <add>, %slice3A_122, %reduce_sum3A_131 [0] : vector<256x64xf32> to vector<64xf32>
    %broadcast_in_dim3A_133 = vector.shape_cast %reduce_sum3A_132 : vector<64xf32> to vector<1x64xf32>
    %add3A_134 = arith.addf %add3A_121, %broadcast_in_dim3A_133 : vector<1x64xf32>
    %slice3A_135 = vector.extract_strided_slice %convert_element_type3A_79 {offsets = [1024, 0], sizes = [256, 64], strides = [1, 1]} : vector<2048x64xf32> to vector<256x64xf32>
    %dot_general3A_136 = arith.constant dense<0.000000e+00> : vector<256x64xf32>
    %dot_general3A_137 = tpu.matmul %convert_element_type3A_83, %slice3A_135, %dot_general3A_136 {dimension_numbers = #tpu.dot_dimension_numbers<[1], [0], [0], [1], [0, 0, 1, 1], [], []>, transpose_lhs_hint = false} : vector<256x256xf32>, vector<256x64xf32>, vector<256x64xf32> -> vector<256x64xf32>
    %add3A_138 = vector.broadcast %add3A_134 : vector<1x64xf32> to vector<256x64xf32>
    %add3A_139 = arith.addf %dot_general3A_137, %add3A_138 : vector<256x64xf32>
    %mul3A_140 = arith.mulf %add3A_139, %slice3A_135 : vector<256x64xf32>
    %reduce_sum3A_141 = arith.constant dense<0.000000e+00> : vector<256xf32>
    %reduce_sum3A_142 = vector.multi_reduction <add>, %mul3A_140, %reduce_sum3A_141 [1] : vector<256x64xf32> to vector<256xf32>
    %broadcast_in_dim3A_143 = vector.shape_cast %reduce_sum3A_142 : vector<256xf32> to vector<256x1xf32>
    %reduce_sum3A_144 = arith.constant dense<0.000000e+00> : vector<64xf32>
    %reduce_sum3A_145 = vector.multi_reduction <add>, %slice3A_135, %reduce_sum3A_144 [0] : vector<256x64xf32> to vector<64xf32>
    %broadcast_in_dim3A_146 = vector.shape_cast %reduce_sum3A_145 : vector<64xf32> to vector<1x64xf32>
    %add3A_147 = arith.addf %add3A_134, %broadcast_in_dim3A_146 : vector<1x64xf32>
    %slice3A_148 = vector.extract_strided_slice %convert_element_type3A_79 {offsets = [1280, 0], sizes = [256, 64], strides = [1, 1]} : vector<2048x64xf32> to vector<256x64xf32>
    %dot_general3A_149 = arith.constant dense<0.000000e+00> : vector<256x64xf32>
    %dot_general3A_150 = tpu.matmul %convert_element_type3A_83, %slice3A_148, %dot_general3A_149 {dimension_numbers = #tpu.dot_dimension_numbers<[1], [0], [0], [1], [0, 0, 1, 1], [], []>, transpose_lhs_hint = false} : vector<256x256xf32>, vector<256x64xf32>, vector<256x64xf32> -> vector<256x64xf32>
    %add3A_151 = vector.broadcast %add3A_147 : vector<1x64xf32> to vector<256x64xf32>
    %add3A_152 = arith.addf %dot_general3A_150, %add3A_151 : vector<256x64xf32>
    %mul3A_153 = arith.mulf %add3A_152, %slice3A_148 : vector<256x64xf32>
    %reduce_sum3A_154 = arith.constant dense<0.000000e+00> : vector<256xf32>
    %reduce_sum3A_155 = vector.multi_reduction <add>, %mul3A_153, %reduce_sum3A_154 [1] : vector<256x64xf32> to vector<256xf32>
    %broadcast_in_dim3A_156 = vector.shape_cast %reduce_sum3A_155 : vector<256xf32> to vector<256x1xf32>
    %reduce_sum3A_157 = arith.constant dense<0.000000e+00> : vector<64xf32>
    %reduce_sum3A_158 = vector.multi_reduction <add>, %slice3A_148, %reduce_sum3A_157 [0] : vector<256x64xf32> to vector<64xf32>
    %broadcast_in_dim3A_159 = vector.shape_cast %reduce_sum3A_158 : vector<64xf32> to vector<1x64xf32>
    %add3A_160 = arith.addf %add3A_147, %broadcast_in_dim3A_159 : vector<1x64xf32>
    %slice3A_161 = vector.extract_strided_slice %convert_element_type3A_79 {offsets = [1536, 0], sizes = [256, 64], strides = [1, 1]} : vector<2048x64xf32> to vector<256x64xf32>
    %dot_general3A_162 = arith.constant dense<0.000000e+00> : vector<256x64xf32>
    %dot_general3A_163 = tpu.matmul %convert_element_type3A_83, %slice3A_161, %dot_general3A_162 {dimension_numbers = #tpu.dot_dimension_numbers<[1], [0], [0], [1], [0, 0, 1, 1], [], []>, transpose_lhs_hint = false} : vector<256x256xf32>, vector<256x64xf32>, vector<256x64xf32> -> vector<256x64xf32>
    %add3A_164 = vector.broadcast %add3A_160 : vector<1x64xf32> to vector<256x64xf32>
    %add3A_165 = arith.addf %dot_general3A_163, %add3A_164 : vector<256x64xf32>
    %mul3A_166 = arith.mulf %add3A_165, %slice3A_161 : vector<256x64xf32>
    %reduce_sum3A_167 = arith.constant dense<0.000000e+00> : vector<256xf32>
    %reduce_sum3A_168 = vector.multi_reduction <add>, %mul3A_166, %reduce_sum3A_167 [1] : vector<256x64xf32> to vector<256xf32>
    %broadcast_in_dim3A_169 = vector.shape_cast %reduce_sum3A_168 : vector<256xf32> to vector<256x1xf32>
    %reduce_sum3A_170 = arith.constant dense<0.000000e+00> : vector<64xf32>
    %reduce_sum3A_171 = vector.multi_reduction <add>, %slice3A_161, %reduce_sum3A_170 [0] : vector<256x64xf32> to vector<64xf32>
    %broadcast_in_dim3A_172 = vector.shape_cast %reduce_sum3A_171 : vector<64xf32> to vector<1x64xf32>
    %add3A_173 = arith.addf %add3A_160, %broadcast_in_dim3A_172 : vector<1x64xf32>
    %slice3A_174 = vector.extract_strided_slice %convert_element_type3A_79 {offsets = [1792, 0], sizes = [256, 64], strides = [1, 1]} : vector<2048x64xf32> to vector<256x64xf32>
    %dot_general3A_175 = arith.constant dense<0.000000e+00> : vector<256x64xf32>
    %dot_general3A_176 = tpu.matmul %convert_element_type3A_83, %slice3A_174, %dot_general3A_175 {dimension_numbers = #tpu.dot_dimension_numbers<[1], [0], [0], [1], [0, 0, 1, 1], [], []>, transpose_lhs_hint = false} : vector<256x256xf32>, vector<256x64xf32>, vector<256x64xf32> -> vector<256x64xf32>
    %add3A_177 = vector.broadcast %add3A_173 : vector<1x64xf32> to vector<256x64xf32>
    %add3A_178 = arith.addf %dot_general3A_176, %add3A_177 : vector<256x64xf32>
    %mul3A_179 = arith.mulf %add3A_178, %slice3A_174 : vector<256x64xf32>
    %reduce_sum3A_180 = arith.constant dense<0.000000e+00> : vector<256xf32>
    %reduce_sum3A_181 = vector.multi_reduction <add>, %mul3A_179, %reduce_sum3A_180 [1] : vector<256x64xf32> to vector<256xf32>
    %broadcast_in_dim3A_182 = vector.shape_cast %reduce_sum3A_181 : vector<256xf32> to vector<256x1xf32>
    %reduce_sum3A_183 = arith.constant dense<0.000000e+00> : vector<64xf32>
    %reduce_sum3A_184 = vector.multi_reduction <add>, %slice3A_174, %reduce_sum3A_183 [0] : vector<256x64xf32> to vector<64xf32>
    %broadcast_in_dim3A_185 = vector.shape_cast %reduce_sum3A_184 : vector<64xf32> to vector<1x64xf32>
    %add3A_186 = arith.addf %add3A_173, %broadcast_in_dim3A_185 : vector<1x64xf32>
    %concatenate3A = tpu.concatenate %broadcast_in_dim3A_91, %broadcast_in_dim3A_104, %broadcast_in_dim3A_117, %broadcast_in_dim3A_130, %broadcast_in_dim3A_143, %broadcast_in_dim3A_156, %broadcast_in_dim3A_169, %broadcast_in_dim3A_182 in 0 : vector<256x1xf32>, vector<256x1xf32>, vector<256x1xf32>, vector<256x1xf32>, vector<256x1xf32>, vector<256x1xf32>, vector<256x1xf32>, vector<256x1xf32> -> vector<2048x1xf32>
    %le3A = arith.constant 8.000000e+00 : f32
    %le3A_187 = vector.broadcast %le3A : f32 to vector<2048x1xf32>
    %le3A_188 = arith.cmpf ole, %concatenate3A, %le3A_187 : vector<2048x1xf32>
    %sub3A = arith.constant 1.000000e+00 : f32
    %sub3A_189 = vector.broadcast %sub3A : f32 to vector<2048x1xf32>
    %sub3A_190 = arith.subf %concatenate3A, %sub3A_189 : vector<2048x1xf32>
    %jit3A_191 = arith.constant 2.048000e+03 : f32
    %broadcast_in_dim3A_192 = vector.broadcast %jit3A_191 : f32 to vector<2048x1xf32>
    %select_n3A_193 = arith.select %le3A_188, %sub3A_190, %broadcast_in_dim3A_192 : vector<2048x1xi1>, vector<2048x1xf32>
    %broadcast_in_dim3A_194 = arith.constant 1.000000e+00 : f32
    %broadcast_in_dim3A_195 = vector.broadcast %broadcast_in_dim3A_194 : f32 to vector<1x512xf32>
    %dot_general3A_196 = arith.constant dense<0.000000e+00> : vector<2048x512xf32>
    %dot_general3A_197 = tpu.matmul %select_n3A_193, %broadcast_in_dim3A_195, %dot_general3A_196 {dimension_numbers = #tpu.dot_dimension_numbers<[1], [0], [0], [1], [0, 0, 1, 1], [], []>, transpose_lhs_hint = false} : vector<2048x1xf32>, vector<1x512xf32>, vector<2048x512xf32> -> vector<2048x512xf32>
    %add3A_198 = arith.addf %dot_general3A_74, %dot_general3A_197 : vector<2048x512xf32>
    %iota3A_199 = tpu.iota {dimensions = array<i32: 1>} : vector<2048x512xi32>
    %convert_element_type3A_200 = arith.fptosi %add3A_198 : vector<2048x512xf32> to vector<2048x512xi32>
    %eq3A_201 = arith.cmpi eq, %convert_element_type3A_200, %iota3A_199 : vector<2048x512xi32>
    %convert_element_type3A_202 = arith.extui %eq3A_201 : vector<2048x512xi1> to vector<2048x512xi32>
    %convert_element_type3A_203 = arith.sitofp %convert_element_type3A_202 : vector<2048x512xi32> to vector<2048x512xf32>
    %iota3A_204 = tpu.iota {dimensions = array<i32: 1>} : vector<1x2048xi32>
    %convert_element_type3A_205 = arith.sitofp %iota3A_204 : vector<1x2048xi32> to vector<1x2048xf32>
    %dot_general3A_206 = arith.constant dense<0.000000e+00> : vector<1x512xf32>
    %dot_general3A_207 = tpu.matmul %convert_element_type3A_205, %convert_element_type3A_203, %dot_general3A_206 {dimension_numbers = #tpu.dot_dimension_numbers<[1], [0], [0], [1], [0, 0, 1, 1], [], []>, transpose_lhs_hint = false} : vector<1x2048xf32>, vector<2048x512xf32>, vector<1x512xf32> -> vector<1x512xf32>
    %get3A_208 = arith.constant 0 : index
    %get3A_209 = arith.constant 0 : index
    %get3A_210 = arith.constant 0 : index
    %get3A_211 = vector.load %arg7[%get3A_208, %get3A_209, %get3A_210] : memref<1x64x64xf32, #tpu.memory_space<vmem>>, vector<1x64x64xf32>
    %get3A_212 = vector.shape_cast %get3A_211 : vector<1x64x64xf32> to vector<64x64xf32>
    %dot_general3A_213 = arith.constant dense<0.000000e+00> : vector<2048x64xf32>
    %dot_general3A_214 = tpu.matmul %add3A_13, %get3A_212, %dot_general3A_213 {dimension_numbers = #tpu.dot_dimension_numbers<[1], [0], [0], [1], [0, 0, 1, 1], [], []>, transpose_lhs_hint = false} : vector<2048x64xf32>, vector<64x64xf32>, vector<2048x64xf32> -> vector<2048x64xf32>
    %get3A_215 = arith.constant 0 : index
    %get3A_216 = arith.constant 0 : index
    %get3A_217 = arith.constant 0 : index
    %get3A_218 = vector.load %arg8[%get3A_215, %get3A_216, %get3A_217] : memref<1x1x64xf32, #tpu.memory_space<vmem>>, vector<1x1x64xf32>
    %get3A_219 = vector.shape_cast %get3A_218 : vector<1x1x64xf32> to vector<1x64xf32>
    %add3A_220 = vector.broadcast %get3A_219 : vector<1x64xf32> to vector<2048x64xf32>
    %add3A_221 = arith.addf %dot_general3A_214, %add3A_220 : vector<2048x64xf32>
    %cos3A = math.cos %add3A_221 : vector<2048x64xf32>
    %concatenate3A_222 = tpu.concatenate %cos3A, %add3A_30 in 1 : vector<2048x64xf32>, vector<2048x64xf32> -> vector<2048x128xf32>
    %swap3A = arith.constant 0 : index
    %swap3A_223 = arith.constant 0 : index
    %swap3A_224 = arith.constant 0 : index
    %swap3A_225 = vector.load %arg10[%swap3A, %swap3A_223, %swap3A_224] : memref<1x2048x128xf32, #tpu.memory_space<vmem>>, vector<1x2048x128xf32>
    %swap3A_226 = vector.shape_cast %swap3A_225 : vector<1x2048x128xf32> to vector<2048x128xf32>
    %swap3A_227 = vector.shape_cast %concatenate3A_222 : vector<2048x128xf32> to vector<1x2048x128xf32>
    tpu.vector_store %arg10[%swap3A, %swap3A_223, %swap3A_224], %swap3A_227 {strides = array<i32>} : memref<1x2048x128xf32, #tpu.memory_space<vmem>>, vector<1x2048x128xf32>,
    %convert_element_type3A_228 = arith.fptosi %dot_general3A_207 : vector<1x512xf32> to vector<1x512xi32>
    %mul3A_229 = arith.constant 2048 : i32
    %mul3A_230 = arith.muli %arg0, %mul3A_229 : i32
    %add3A_231 = vector.broadcast %mul3A_230 : i32 to vector<1x512xi32>
    %add3A_232 = arith.addi %convert_element_type3A_228, %add3A_231 : vector<1x512xi32>
    %swap3A_233 = arith.constant 0 : index
    %swap3A_234 = arith.constant 0 : index
    %swap3A_235 = arith.constant 0 : index
    %swap3A_236 = vector.load %arg11[%swap3A_233, %swap3A_234, %swap3A_235] : memref<1x1x512xi32, #tpu.memory_space<vmem>>, vector<1x1x512xi32>
    %swap3A_237 = vector.shape_cast %swap3A_236 : vector<1x1x512xi32> to vector<1x512xi32>
    %swap3A_238 = vector.shape_cast %add3A_232 : vector<1x512xi32> to vector<1x1x512xi32>
    tpu.vector_store %arg11[%swap3A_233, %swap3A_234, %swap3A_235], %swap3A_238 {strides = array<i32>} : memref<1x1x512xi32, #tpu.memory_space<vmem>>, vector<1x1x512xi32>,
    %swap3A_239 = arith.constant 0 : index
    %swap3A_240 = arith.constant 0 : index
    %swap3A_241 = arith.constant 0 : index
    %swap3A_242 = vector.load %arg12[%swap3A_239, %swap3A_240, %swap3A_241] : memref<1x1x64xf32, #tpu.memory_space<vmem>>, vector<1x1x64xf32>
    %swap3A_243 = vector.shape_cast %swap3A_242 : vector<1x1x64xf32> to vector<1x64xf32>
    %swap3A_244 = vector.shape_cast %add3A_186 : vector<1x64xf32> to vector<1x1x64xf32>
    tpu.vector_store %arg12[%swap3A_239, %swap3A_240, %swap3A_241], %swap3A_244 {strides = array<i32>} : memref<1x1x64xf32, #tpu.memory_space<vmem>>, vector<1x1x64xf32>,
    return
  }
  func.func @transform_0(%arg0: i32) -> (i32, i32) {
    %c0_i32 = arith.constant 0 : i32
    %c0_i32_0 = arith.constant 0 : i32
    %c0_i32_1 = arith.constant 0 : i32
    return %c0_i32, %c0_i32_0 : i32, i32
  }
  func.func @transform_1(%arg0: i32) -> (i32, i32) {
    %c0_i32 = arith.constant 0 : i32
    %c0_i32_0 = arith.constant 0 : i32
    %c0_i32_1 = arith.constant 0 : i32
    return %c0_i32, %c0_i32_0 : i32, i32
  }
  func.func @transform_2(%arg0: i32) -> (i32, i32, i32) {
    %c0_i32 = arith.constant 0 : i32
    %c0_i32_0 = arith.constant 0 : i32
    %c0_i32_1 = arith.constant 0 : i32
    return %arg0, %c0_i32, %c0_i32_0 : i32, i32, i32
  }
  func.func @transform_3(%arg0: i32) -> (i32, i32, i32) {
    %c0_i32 = arith.constant 0 : i32
    %c0_i32_0 = arith.constant 0 : i32
    %c0_i32_1 = arith.constant 0 : i32
    return %arg0, %c0_i32, %c0_i32_0 : i32, i32, i32
  }
  func.func @transform_4(%arg0: i32) -> (i32, i32, i32) {
    %c0_i32 = arith.constant 0 : i32
    %c0_i32_0 = arith.constant 0 : i32
    %c0_i32_1 = arith.constant 0 : i32
    return %arg0, %c0_i32, %c0_i32_0 : i32, i32, i32
  }
  func.func @transform_5(%arg0: i32) -> (i32, i32, i32) {
    %c0_i32 = arith.constant 0 : i32
    %c0_i32_0 = arith.constant 0 : i32
    %c0_i32_1 = arith.constant 0 : i32
    return %arg0, %c0_i32, %c0_i32_0 : i32, i32, i32
  }
  func.func @transform_6(%arg0: i32) -> (i32, i32, i32) {
    %c0_i32 = arith.constant 0 : i32
    %c0_i32_0 = arith.constant 0 : i32
    %c0_i32_1 = arith.constant 0 : i32
    return %arg0, %c0_i32, %c0_i32_0 : i32, i32, i32
  }
  func.func @transform_7(%arg0: i32) -> (i32, i32, i32) {
    %c0_i32 = arith.constant 0 : i32
    %c0_i32_0 = arith.constant 0 : i32
    %c0_i32_1 = arith.constant 0 : i32
    return %arg0, %c0_i32, %c0_i32_0 : i32, i32, i32
  }
  func.func @transform_8(%arg0: i32) -> (i32, i32, i32) {
    %c0_i32 = arith.constant 0 : i32
    %c0_i32_0 = arith.constant 0 : i32
    %c0_i32_1 = arith.constant 0 : i32
    return %arg0, %c0_i32, %c0_i32_0 : i32, i32, i32
  }
  func.func @transform_9(%arg0: i32) -> (i32, i32, i32) {
    %c0_i32 = arith.constant 0 : i32
    %c0_i32_0 = arith.constant 0 : i32
    %c0_i32_1 = arith.constant 0 : i32
    return %arg0, %c0_i32, %c0_i32_0 : i32, i32, i32
  }
  func.func @transform_10(%arg0: i32) -> (i32, i32, i32) {
    %c0_i32 = arith.constant 0 : i32
    %c0_i32_0 = arith.constant 0 : i32
    %c0_i32_1 = arith.constant 0 : i32
    return %arg0, %c0_i32, %c0_i32_0 : i32, i32, i32
  }
  func.func @transform_11(%arg0: i32) -> (i32, i32, i32) {
    %c0_i32 = arith.constant 0 : i32
    %c0_i32_0 = arith.constant 0 : i32
    %c0_i32_1 = arith.constant 0 : i32
    return %arg0, %c0_i32, %c0_i32_0 : i32, i32, i32
  }
}

module attributes {stable_mosaic.version = 14 : i64} {
  func.func @_query_kernel(%arg0: i32, %arg1: memref<2048x768xf32, #tpu.memory_space<vmem>>, %arg2: memref<1x768x64xf32, #tpu.memory_space<vmem>>, %arg3: memref<1x1x64xf32, #tpu.memory_space<vmem>>, %arg4: memref<1x64x64xf32, #tpu.memory_space<vmem>>, %arg5: memref<1x1x64xf32, #tpu.memory_space<vmem>>, %arg6: memref<1x64x2xf32, #tpu.memory_space<vmem>>, %arg7: memref<1x2048x64xf32, #tpu.memory_space<vmem>>, %arg8: memref<1x2048x2xf32, #tpu.memory_space<vmem>>) attributes {dimension_semantics = [#tpu.dimension_semantics<arbitrary>], iteration_bounds = array<i64: 8>, scalar_prefetch = 0 : i64, scratch_operands = 0 : i64, tpu.core_type = #tpu.core_type<tc>, window_params = [{pipeline_mode = #tpu.pipeline_mode<synchronous>, transform_indices = @transform_0, window_bounds = array<i64: 2048, 768>}, {transform_indices = @transform_1, window_bounds = array<i64: 1, 768, 64>}, {transform_indices = @transform_2, window_bounds = array<i64: 1, 1, 64>}, {transform_indices = @transform_3, window_bounds = array<i64: 1, 64, 64>}, {transform_indices = @transform_4, window_bounds = array<i64: 1, 1, 64>}, {transform_indices = @transform_5, window_bounds = array<i64: 1, 64, 2>}, {transform_indices = @transform_6, window_bounds = array<i64: 1, 2048, 64>}, {transform_indices = @transform_7, window_bounds = array<i64: 1, 2048, 2>}]} {
    %get3A = arith.constant 0 : index
    %get3A_0 = arith.constant 0 : index
    %get3A_1 = vector.load %arg1[%get3A, %get3A_0] : memref<2048x768xf32, #tpu.memory_space<vmem>>, vector<2048x768xf32>
    %get3A_2 = arith.constant 0 : index
    %get3A_3 = arith.constant 0 : index
    %get3A_4 = arith.constant 0 : index
    %get3A_5 = vector.load %arg2[%get3A_2, %get3A_3, %get3A_4] : memref<1x768x64xf32, #tpu.memory_space<vmem>>, vector<1x768x64xf32>
    %get3A_6 = vector.shape_cast %get3A_5 : vector<1x768x64xf32> to vector<768x64xf32>
    %dot_general3A = arith.constant dense<0.000000e+00> : vector<2048x64xf32>
    %dot_general3A_7 = tpu.matmul %get3A_1, %get3A_6, %dot_general3A {dimension_numbers = #tpu.dot_dimension_numbers<[1], [0], [0], [1], [0, 0, 1, 1], [], []>, transpose_lhs_hint = false} : vector<2048x768xf32>, vector<768x64xf32>, vector<2048x64xf32> -> vector<2048x64xf32>
    %get3A_8 = arith.constant 0 : index
    %get3A_9 = arith.constant 0 : index
    %get3A_10 = arith.constant 0 : index
    %get3A_11 = vector.load %arg3[%get3A_8, %get3A_9, %get3A_10] : memref<1x1x64xf32, #tpu.memory_space<vmem>>, vector<1x1x64xf32>
    %get3A_12 = vector.shape_cast %get3A_11 : vector<1x1x64xf32> to vector<1x64xf32>
    %add3A = vector.broadcast %get3A_12 : vector<1x64xf32> to vector<2048x64xf32>
    %add3A_13 = arith.addf %dot_general3A_7, %add3A : vector<2048x64xf32>
    %get3A_14 = arith.constant 0 : index
    %get3A_15 = arith.constant 0 : index
    %get3A_16 = arith.constant 0 : index
    %get3A_17 = vector.load %arg4[%get3A_14, %get3A_15, %get3A_16] : memref<1x64x64xf32, #tpu.memory_space<vmem>>, vector<1x64x64xf32>
    %get3A_18 = vector.shape_cast %get3A_17 : vector<1x64x64xf32> to vector<64x64xf32>
    %dot_general3A_19 = arith.constant dense<0.000000e+00> : vector<2048x64xf32>
    %dot_general3A_20 = tpu.matmul %add3A_13, %get3A_18, %dot_general3A_19 {dimension_numbers = #tpu.dot_dimension_numbers<[1], [0], [0], [1], [0, 0, 1, 1], [], []>, transpose_lhs_hint = false} : vector<2048x64xf32>, vector<64x64xf32>, vector<2048x64xf32> -> vector<2048x64xf32>
    %get3A_21 = arith.constant 0 : index
    %get3A_22 = arith.constant 0 : index
    %get3A_23 = arith.constant 0 : index
    %get3A_24 = vector.load %arg5[%get3A_21, %get3A_22, %get3A_23] : memref<1x1x64xf32, #tpu.memory_space<vmem>>, vector<1x1x64xf32>
    %get3A_25 = vector.shape_cast %get3A_24 : vector<1x1x64xf32> to vector<1x64xf32>
    %add3A_26 = vector.broadcast %get3A_25 : vector<1x64xf32> to vector<2048x64xf32>
    %add3A_27 = arith.addf %dot_general3A_20, %add3A_26 : vector<2048x64xf32>
    %cos3A = math.cos %add3A_27 : vector<2048x64xf32>
    %mul3A = arith.constant 3.906250e-03 : f32
    %mul3A_28 = vector.broadcast %mul3A : f32 to vector<2048x64xf32>
    %mul3A_29 = arith.mulf %cos3A, %mul3A_28 : vector<2048x64xf32>
    %swap3A = arith.constant 0 : index
    %swap3A_30 = arith.constant 0 : index
    %swap3A_31 = arith.constant 0 : index
    %swap3A_32 = vector.load %arg7[%swap3A, %swap3A_30, %swap3A_31] : memref<1x2048x64xf32, #tpu.memory_space<vmem>>, vector<1x2048x64xf32>
    %swap3A_33 = vector.shape_cast %swap3A_32 : vector<1x2048x64xf32> to vector<2048x64xf32>
    %swap3A_34 = vector.shape_cast %mul3A_29 : vector<2048x64xf32> to vector<1x2048x64xf32>
    tpu.vector_store %arg7[%swap3A, %swap3A_30, %swap3A_31], %swap3A_34 {strides = array<i32>} : memref<1x2048x64xf32, #tpu.memory_space<vmem>>, vector<1x2048x64xf32>,
    %get3A_35 = arith.constant 0 : index
    %get3A_36 = arith.constant 0 : index
    %get3A_37 = arith.constant 0 : index
    %get3A_38 = vector.load %arg6[%get3A_35, %get3A_36, %get3A_37] : memref<1x64x2xf32, #tpu.memory_space<vmem>>, vector<1x64x2xf32>
    %get3A_39 = vector.shape_cast %get3A_38 : vector<1x64x2xf32> to vector<64x2xf32>
    %bitcast_convert_type3A = tpu.bitcast %add3A_13 : vector<2048x64xf32> -> vector<2048x64xi32>
    %gt3A = arith.constant 0 : i32
    %gt3A_40 = vector.broadcast %gt3A : i32 to vector<2048x64xi32>
    %gt3A_41 = arith.cmpi sgt, %bitcast_convert_type3A, %gt3A_40 : vector<2048x64xi32>
    %convert_element_type3A = arith.extui %gt3A_41 : vector<2048x64xi1> to vector<2048x64xi32>
    %convert_element_type3A_42 = arith.sitofp %convert_element_type3A : vector<2048x64xi32> to vector<2048x64xf32>
    %dot_general3A_43 = arith.constant dense<0.000000e+00> : vector<2048x2xf32>
    %dot_general3A_44 = tpu.matmul %convert_element_type3A_42, %get3A_39, %dot_general3A_43 {dimension_numbers = #tpu.dot_dimension_numbers<[1], [0], [0], [1], [0, 0, 1, 1], [], []>, transpose_lhs_hint = false} : vector<2048x64xf32>, vector<64x2xf32>, vector<2048x2xf32> -> vector<2048x2xf32>
    %div3A = arith.constant 1.600000e+01 : f32
    %div3A_45 = vector.broadcast %div3A : f32 to vector<2048x2xf32>
    %div3A_46 = arith.divf %dot_general3A_44, %div3A_45 : vector<2048x2xf32>
    %floor3A = math.floor %div3A_46 : vector<2048x2xf32>
    %jit3A = arith.constant 8 : i32
    %convert_element_type3A_47 = arith.sitofp %jit3A : i32 to f32
    %rem3A = vector.broadcast %convert_element_type3A_47 : f32 to vector<2048x2xf32>
    %rem3A_48 = arith.remf %floor3A, %rem3A : vector<2048x2xf32>
    %ne3A = arith.constant 0.000000e+00 : f32
    %ne3A_49 = vector.broadcast %ne3A : f32 to vector<2048x2xf32>
    %ne3A_50 = arith.cmpf one, %rem3A_48, %ne3A_49 : vector<2048x2xf32>
    %lt3A = arith.constant 0.000000e+00 : f32
    %lt3A_51 = vector.broadcast %lt3A : f32 to vector<2048x2xf32>
    %lt3A_52 = arith.cmpf olt, %rem3A_48, %lt3A_51 : vector<2048x2xf32>
    %lt3A_53 = arith.constant 0.000000e+00 : f32
    %lt3A_54 = arith.cmpf olt, %convert_element_type3A_47, %lt3A_53 : f32
    %ne3A_55 = vector.broadcast %lt3A_54 : i1 to vector<2048x2xi1>
    %ne3A_56 = vector.broadcast %ne3A_55 : vector<2048x2xi1> to vector<2048x2xi1>
    %ne3A_57 = arith.xori %lt3A_52, %ne3A_56 : vector<2048x2xi1>
    %and3A = arith.andi %ne3A_57, %ne3A_50 : vector<2048x2xi1>
    %add3A_58 = vector.broadcast %convert_element_type3A_47 : f32 to vector<2048x2xf32>
    %add3A_59 = arith.addf %rem3A_48, %add3A_58 : vector<2048x2xf32>
    %select_n3A = arith.select %and3A, %add3A_59, %rem3A_48 : vector<2048x2xi1>, vector<2048x2xf32>
    %swap3A_60 = arith.constant 0 : index
    %swap3A_61 = arith.constant 0 : index
    %swap3A_62 = arith.constant 0 : index
    %swap3A_63 = vector.load %arg8[%swap3A_60, %swap3A_61, %swap3A_62] : memref<1x2048x2xf32, #tpu.memory_space<vmem>>, vector<1x2048x2xf32>
    %swap3A_64 = vector.shape_cast %swap3A_63 : vector<1x2048x2xf32> to vector<2048x2xf32>
    %swap3A_65 = vector.shape_cast %select_n3A : vector<2048x2xf32> to vector<1x2048x2xf32>
    tpu.vector_store %arg8[%swap3A_60, %swap3A_61, %swap3A_62], %swap3A_65 {strides = array<i32>} : memref<1x2048x2xf32, #tpu.memory_space<vmem>>, vector<1x2048x2xf32>,
    return
  }
  func.func @transform_0(%arg0: i32) -> (i32, i32) {
    %c0_i32 = arith.constant 0 : i32
    %c0_i32_0 = arith.constant 0 : i32
    %c0_i32_1 = arith.constant 0 : i32
    return %c0_i32, %c0_i32_0 : i32, i32
  }
  func.func @transform_1(%arg0: i32) -> (i32, i32, i32) {
    %c0_i32 = arith.constant 0 : i32
    %c0_i32_0 = arith.constant 0 : i32
    %c0_i32_1 = arith.constant 0 : i32
    return %arg0, %c0_i32, %c0_i32_0 : i32, i32, i32
  }
  func.func @transform_2(%arg0: i32) -> (i32, i32, i32) {
    %c0_i32 = arith.constant 0 : i32
    %c0_i32_0 = arith.constant 0 : i32
    %c0_i32_1 = arith.constant 0 : i32
    return %arg0, %c0_i32, %c0_i32_0 : i32, i32, i32
  }
  func.func @transform_3(%arg0: i32) -> (i32, i32, i32) {
    %c0_i32 = arith.constant 0 : i32
    %c0_i32_0 = arith.constant 0 : i32
    %c0_i32_1 = arith.constant 0 : i32
    return %arg0, %c0_i32, %c0_i32_0 : i32, i32, i32
  }
  func.func @transform_4(%arg0: i32) -> (i32, i32, i32) {
    %c0_i32 = arith.constant 0 : i32
    %c0_i32_0 = arith.constant 0 : i32
    %c0_i32_1 = arith.constant 0 : i32
    return %arg0, %c0_i32, %c0_i32_0 : i32, i32, i32
  }
  func.func @transform_5(%arg0: i32) -> (i32, i32, i32) {
    %c0_i32 = arith.constant 0 : i32
    %c0_i32_0 = arith.constant 0 : i32
    %c0_i32_1 = arith.constant 0 : i32
    return %arg0, %c0_i32, %c0_i32_0 : i32, i32, i32
  }
  func.func @transform_6(%arg0: i32) -> (i32, i32, i32) {
    %c0_i32 = arith.constant 0 : i32
    %c0_i32_0 = arith.constant 0 : i32
    %c0_i32_1 = arith.constant 0 : i32
    return %arg0, %c0_i32, %c0_i32_0 : i32, i32, i32
  }
  func.func @transform_7(%arg0: i32) -> (i32, i32, i32) {
    %c0_i32 = arith.constant 0 : i32
    %c0_i32_0 = arith.constant 0 : i32
    %c0_i32_1 = arith.constant 0 : i32
    return %arg0, %c0_i32, %c0_i32_0 : i32, i32, i32
  }
}

module attributes {stable_mosaic.version = 14 : i64} {
  func.func @_attn_kernel(%arg0: i32, %arg1: memref<1x2048x64xf32, #tpu.memory_space<vmem>>, %arg2: memref<1x2048x2xf32, #tpu.memory_space<vmem>>, %arg3: memref<1x512x128xf32, #tpu.memory_space<vmem>>, %arg4: memref<1x1x64xf32, #tpu.memory_space<vmem>>, %arg5: memref<1x64x32xf32, #tpu.memory_space<vmem>>, %arg6: memref<1x32x768xf32, #tpu.memory_space<vmem>>, %arg7: memref<768x768xf32, #tpu.memory_space<vmem>>, %arg8: memref<1x768xf32, #tpu.memory_space<vmem>>, %arg9: memref<2048x768xf32, #tpu.memory_space<vmem>>) attributes {dimension_semantics = [#tpu.dimension_semantics<arbitrary>], iteration_bounds = array<i64: 8>, scalar_prefetch = 0 : i64, scratch_operands = 0 : i64, tpu.core_type = #tpu.core_type<tc>, window_params = [{transform_indices = @transform_0, window_bounds = array<i64: 1, 2048, 64>}, {transform_indices = @transform_1, window_bounds = array<i64: 1, 2048, 2>}, {transform_indices = @transform_2, window_bounds = array<i64: 1, 512, 128>}, {transform_indices = @transform_3, window_bounds = array<i64: 1, 1, 64>}, {transform_indices = @transform_4, window_bounds = array<i64: 1, 64, 32>}, {transform_indices = @transform_5, window_bounds = array<i64: 1, 32, 768>}, {transform_indices = @transform_6, window_bounds = array<i64: 768, 768>}, {pipeline_mode = #tpu.pipeline_mode<synchronous>, transform_indices = @transform_7, window_bounds = array<i64: 1, 768>}, {pipeline_mode = #tpu.pipeline_mode<synchronous>, transform_indices = @transform_8, window_bounds = array<i64: 2048, 768>}]} {
    %get3A = arith.constant 0 : index
    %get3A_0 = arith.constant 0 : index
    %get3A_1 = arith.constant 0 : index
    %get3A_2 = vector.load %arg1[%get3A, %get3A_0, %get3A_1] : memref<1x2048x64xf32, #tpu.memory_space<vmem>>, vector<1x2048x64xf32>
    %get3A_3 = vector.shape_cast %get3A_2 : vector<1x2048x64xf32> to vector<2048x64xf32>
    %get3A_4 = arith.constant 0 : index
    %get3A_5 = arith.constant 0 : index
    %get3A_6 = arith.constant 0 : index
    %get3A_7 = vector.load %arg3[%get3A_4, %get3A_5, %get3A_6] : memref<1x512x128xf32, #tpu.memory_space<vmem>>, vector<1x512x128xf32>
    %get3A_8 = vector.shape_cast %get3A_7 : vector<1x512x128xf32> to vector<512x128xf32>
    %slice3A = vector.extract_strided_slice %get3A_8 {offsets = [0, 0], sizes = [512, 64], strides = [1, 1]} : vector<512x128xf32> to vector<512x64xf32>
    %slice3A_9 = vector.extract_strided_slice %get3A_8 {offsets = [0, 64], sizes = [512, 64], strides = [1, 1]} : vector<512x128xf32> to vector<512x64xf32>
    %get3A_10 = arith.constant 0 : index
    %get3A_11 = arith.constant 0 : index
    %get3A_12 = arith.constant 0 : index
    %get3A_13 = vector.load %arg4[%get3A_10, %get3A_11, %get3A_12] : memref<1x1x64xf32, #tpu.memory_space<vmem>>, vector<1x1x64xf32>
    %get3A_14 = vector.shape_cast %get3A_13 : vector<1x1x64xf32> to vector<1x64xf32>
    %iota3A = tpu.iota {dimensions = array<i32: 0>} : vector<512x64xi32>
    %shift_right_arithmetic3A = arith.constant 3 : i32
    %shift_right_arithmetic3A_15 = vector.broadcast %shift_right_arithmetic3A : i32 to vector<512x64xi32>
    %shift_right_arithmetic3A_16 = arith.shrsi %iota3A, %shift_right_arithmetic3A_15 : vector<512x64xi32>
    %iota3A_17 = tpu.iota {dimensions = array<i32: 1>} : vector<512x64xi32>
    %eq3A = arith.cmpi eq, %shift_right_arithmetic3A_16, %iota3A_17 : vector<512x64xi32>
    %convert_element_type3A = arith.extui %eq3A : vector<512x64xi1> to vector<512x64xi32>
    %convert_element_type3A_18 = arith.sitofp %convert_element_type3A : vector<512x64xi32> to vector<512x64xf32>
    %dot_general3A = arith.constant dense<0.000000e+00> : vector<512x1xf32>
    %dot_general3A_19 = tpu.matmul %convert_element_type3A_18, %get3A_14, %dot_general3A {dimension_numbers = #tpu.dot_dimension_numbers<[1], [1], [0], [0], [0, 0, 1, 0], [], []>, transpose_lhs_hint = false} : vector<512x64xf32>, vector<1x64xf32>, vector<512x1xf32> -> vector<512x1xf32>
    %iota3A_20 = tpu.iota {dimensions = array<i32: 0>} : vector<512x1xi32>
    %jit3A = arith.constant 8 : i32
    %eq3A_21 = arith.constant 0 : i32
    %eq3A_22 = arith.cmpi eq, %jit3A, %eq3A_21 : i32
    %jit3A_23 = arith.constant 1 : i32
    %select_n3A = arith.select %eq3A_22, %jit3A_23, %jit3A : i32
    %rem3A = vector.broadcast %select_n3A : i32 to vector<512x1xi32>
    %rem3A_24 = arith.remsi %iota3A_20, %rem3A : vector<512x1xi32>
    %ne3A = arith.constant 0 : i32
    %ne3A_25 = vector.broadcast %ne3A : i32 to vector<512x1xi32>
    %ne3A_26 = arith.cmpi ne, %rem3A_24, %ne3A_25 : vector<512x1xi32>
    %lt3A = arith.constant 0 : i32
    %lt3A_27 = vector.broadcast %lt3A : i32 to vector<512x1xi32>
    %lt3A_28 = arith.cmpi slt, %rem3A_24, %lt3A_27 : vector<512x1xi32>
    %lt3A_29 = arith.constant 0 : i32
    %lt3A_30 = arith.cmpi slt, %select_n3A, %lt3A_29 : i32
    %ne3A_31 = vector.broadcast %lt3A_30 : i1 to vector<512x1xi1>
    %ne3A_32 = vector.broadcast %ne3A_31 : vector<512x1xi1> to vector<512x1xi1>
    %ne3A_33 = arith.xori %lt3A_28, %ne3A_32 : vector<512x1xi1>
    %and3A = arith.andi %ne3A_33, %ne3A_26 : vector<512x1xi1>
    %add3A = vector.broadcast %select_n3A : i32 to vector<512x1xi32>
    %add3A_34 = arith.addi %rem3A_24, %add3A : vector<512x1xi32>
    %select_n3A_35 = arith.select %and3A, %add3A_34, %rem3A_24 : vector<512x1xi1>, vector<512x1xi32>
    %convert_element_type3A_36 = arith.sitofp %select_n3A_35 : vector<512x1xi32> to vector<512x1xf32>
    %gt3A = arith.cmpf ogt, %dot_general3A_19, %convert_element_type3A_36 : vector<512x1xf32>
    %jit3A_37 = arith.constant 0.000000e+00 : f32
    %broadcast_in_dim3A = vector.shape_cast %gt3A : vector<512x1xi1> to vector<512x1xi1>
    %broadcast_in_dim3A_38 = vector.broadcast %broadcast_in_dim3A : vector<512x1xi1> to vector<512x64xi1>
    %broadcast_in_dim3A_39 = vector.broadcast %jit3A_37 : f32 to vector<512x64xf32>
    %select_n3A_40 = arith.select %broadcast_in_dim3A_38, %slice3A_9, %broadcast_in_dim3A_39 : vector<512x64xi1>, vector<512x64xf32>
    %iota3A_41 = tpu.iota {dimensions = array<i32: 1>} : vector<1x512xi32>
    %iota3A_42 = tpu.iota {dimensions = array<i32: 0>} : vector<64x512xi32>
    %iota3A_43 = tpu.iota {dimensions = array<i32: 1>} : vector<64x512xi32>
    %jit3A_44 = arith.constant 8 : i32
    %div3A = vector.broadcast %jit3A_44 : i32 to vector<64x512xi32>
    %div3A_45 = arith.divsi %iota3A_43, %div3A : vector<64x512xi32>
    %sign3A = arith.constant 0 : i32
    %sign3A_46 = vector.broadcast %sign3A : i32 to vector<64x512xi32>
    %sign3A_47 = arith.cmpi sgt, %iota3A_43, %sign3A_46 : vector<64x512xi32>
    %sign3A_48 = arith.extui %sign3A_47 : vector<64x512xi1> to vector<64x512xi32>
    %sign3A_49 = arith.constant 0 : i32
    %sign3A_50 = vector.broadcast %sign3A_49 : i32 to vector<64x512xi32>
    %sign3A_51 = arith.cmpi slt, %iota3A_43, %sign3A_50 : vector<64x512xi32>
    %sign3A_52 = arith.extui %sign3A_51 : vector<64x512xi1> to vector<64x512xi32>
    %sign3A_53 = arith.subi %sign3A_48, %sign3A_52 : vector<64x512xi32>
    %sign3A_54 = arith.constant 0 : i32
    %sign3A_55 = arith.cmpi sgt, %jit3A_44, %sign3A_54 : i32
    %sign3A_56 = arith.extui %sign3A_55 : i1 to i32
    %sign3A_57 = arith.constant 0 : i32
    %sign3A_58 = arith.cmpi slt, %jit3A_44, %sign3A_57 : i32
    %sign3A_59 = arith.extui %sign3A_58 : i1 to i32
    %sign3A_60 = arith.subi %sign3A_56, %sign3A_59 : i32
    %ne3A_61 = vector.broadcast %sign3A_60 : i32 to vector<64x512xi32>
    %ne3A_62 = arith.cmpi ne, %sign3A_53, %ne3A_61 : vector<64x512xi32>
    %rem3A_63 = vector.broadcast %jit3A_44 : i32 to vector<64x512xi32>
    %rem3A_64 = arith.remsi %iota3A_43, %rem3A_63 : vector<64x512xi32>
    %ne3A_65 = arith.constant 0 : i32
    %ne3A_66 = vector.broadcast %ne3A_65 : i32 to vector<64x512xi32>
    %ne3A_67 = arith.cmpi ne, %rem3A_64, %ne3A_66 : vector<64x512xi32>
    %and3A_68 = arith.andi %ne3A_62, %ne3A_67 : vector<64x512xi1>
    %sub3A = arith.constant 1 : i32
    %sub3A_69 = vector.broadcast %sub3A : i32 to vector<64x512xi32>
    %sub3A_70 = arith.subi %div3A_45, %sub3A_69 : vector<64x512xi32>
    %select_n3A_71 = arith.select %and3A_68, %sub3A_70, %div3A_45 : vector<64x512xi1>, vector<64x512xi32>
    %eq3A_72 = arith.cmpi eq, %iota3A_42, %select_n3A_71 : vector<64x512xi32>
    %convert_element_type3A_73 = arith.extui %eq3A_72 : vector<64x512xi1> to vector<64x512xi32>
    %convert_element_type3A_74 = arith.sitofp %convert_element_type3A_73 : vector<64x512xi32> to vector<64x512xf32>
    %dot_general3A_75 = arith.constant dense<0.000000e+00> : vector<1x512xf32>
    %dot_general3A_76 = tpu.matmul %get3A_14, %convert_element_type3A_74, %dot_general3A_75 {dimension_numbers = #tpu.dot_dimension_numbers<[1], [0], [0], [1], [0, 0, 1, 1], [], []>, transpose_lhs_hint = false} : vector<1x64xf32>, vector<64x512xf32>, vector<1x512xf32> -> vector<1x512xf32>
    %jit3A_77 = arith.constant 8 : i32
    %eq3A_78 = arith.constant 0 : i32
    %eq3A_79 = arith.cmpi eq, %jit3A_77, %eq3A_78 : i32
    %jit3A_80 = arith.constant 1 : i32
    %select_n3A_81 = arith.select %eq3A_79, %jit3A_80, %jit3A_77 : i32
    %rem3A_82 = vector.broadcast %select_n3A_81 : i32 to vector<1x512xi32>
    %rem3A_83 = arith.remsi %iota3A_41, %rem3A_82 : vector<1x512xi32>
    %ne3A_84 = arith.constant 0 : i32
    %ne3A_85 = vector.broadcast %ne3A_84 : i32 to vector<1x512xi32>
    %ne3A_86 = arith.cmpi ne, %rem3A_83, %ne3A_85 : vector<1x512xi32>
    %lt3A_87 = arith.constant 0 : i32
    %lt3A_88 = vector.broadcast %lt3A_87 : i32 to vector<1x512xi32>
    %lt3A_89 = arith.cmpi slt, %rem3A_83, %lt3A_88 : vector<1x512xi32>
    %lt3A_90 = arith.constant 0 : i32
    %lt3A_91 = arith.cmpi slt, %select_n3A_81, %lt3A_90 : i32
    %ne3A_92 = vector.broadcast %lt3A_91 : i1 to vector<1x512xi1>
    %ne3A_93 = vector.broadcast %ne3A_92 : vector<1x512xi1> to vector<1x512xi1>
    %ne3A_94 = arith.xori %lt3A_89, %ne3A_93 : vector<1x512xi1>
    %and3A_95 = arith.andi %ne3A_94, %ne3A_86 : vector<1x512xi1>
    %add3A_96 = vector.broadcast %select_n3A_81 : i32 to vector<1x512xi32>
    %add3A_97 = arith.addi %rem3A_83, %add3A_96 : vector<1x512xi32>
    %select_n3A_98 = arith.select %and3A_95, %add3A_97, %rem3A_83 : vector<1x512xi1>, vector<1x512xi32>
    %convert_element_type3A_99 = arith.sitofp %select_n3A_98 : vector<1x512xi32> to vector<1x512xf32>
    %gt3A_100 = arith.cmpf ogt, %dot_general3A_76, %convert_element_type3A_99 : vector<1x512xf32>
    %shift_right_arithmetic3A_101 = arith.constant 3 : i32
    %shift_right_arithmetic3A_102 = vector.broadcast %shift_right_arithmetic3A_101 : i32 to vector<1x512xi32>
    %shift_right_arithmetic3A_103 = arith.shrsi %iota3A_41, %shift_right_arithmetic3A_102 : vector<1x512xi32>
    %jit3A_104 = arith.constant -1 : i32
    %broadcast_in_dim3A_105 = vector.broadcast %jit3A_104 : i32 to vector<1x512xi32>
    %select_n3A_106 = arith.select %gt3A_100, %shift_right_arithmetic3A_103, %broadcast_in_dim3A_105 : vector<1x512xi1>, vector<1x512xi32>
    %get3A_107 = arith.constant 0 : index
    %get3A_108 = arith.constant 0 : index
    %get3A_109 = arith.constant 0 : index
    %get3A_110 = vector.load %arg2[%get3A_107, %get3A_108, %get3A_109] : memref<1x2048x2xf32, #tpu.memory_space<vmem>>, vector<1x2048x2xf32>
    %get3A_111 = vector.shape_cast %get3A_110 : vector<1x2048x2xf32> to vector<2048x2xf32>
    %iota3A_112 = tpu.iota {dimensions = array<i32: 0>} : vector<2x512xi32>
    %eq3A_113 = arith.constant 0 : i32
    %eq3A_114 = vector.broadcast %eq3A_113 : i32 to vector<2x512xi32>
    %eq3A_115 = arith.cmpi eq, %iota3A_112, %eq3A_114 : vector<2x512xi32>
    %jit3A_116 = arith.constant 8.000000e+00 : f32
    %jit3A_117 = arith.constant 1.000000e+00 : f32
    %broadcast_in_dim3A_118 = vector.broadcast %jit3A_116 : f32 to vector<2x512xf32>
    %broadcast_in_dim3A_119 = vector.broadcast %jit3A_117 : f32 to vector<2x512xf32>
    %select_n3A_120 = arith.select %eq3A_115, %broadcast_in_dim3A_118, %broadcast_in_dim3A_119 : vector<2x512xi1>, vector<2x512xf32>
    %dot_general3A_121 = arith.constant dense<0.000000e+00> : vector<2048x512xf32>
    %dot_general3A_122 = tpu.matmul %get3A_111, %select_n3A_120, %dot_general3A_121 {dimension_numbers = #tpu.dot_dimension_numbers<[1], [0], [0], [1], [0, 0, 1, 1], [], []>, transpose_lhs_hint = false} : vector<2048x2xf32>, vector<2x512xf32>, vector<2048x512xf32> -> vector<2048x512xf32>
    %dot_general3A_123 = arith.constant dense<0.000000e+00> : vector<2048x512xf32>
    %dot_general3A_124 = tpu.matmul %get3A_3, %slice3A, %dot_general3A_123 {dimension_numbers = #tpu.dot_dimension_numbers<[1], [1], [0], [0], [0, 0, 1, 0], [], []>, transpose_lhs_hint = false} : vector<2048x64xf32>, vector<512x64xf32>, vector<2048x512xf32> -> vector<2048x512xf32>
    %convert_element_type3A_125 = arith.fptosi %dot_general3A_122 : vector<2048x512xf32> to vector<2048x512xi32>
    %eq3A_126 = vector.broadcast %select_n3A_106 : vector<1x512xi32> to vector<2048x512xi32>
    %eq3A_127 = arith.cmpi eq, %convert_element_type3A_125, %eq3A_126 : vector<2048x512xi32>
    %jit3A_128 = arith.constant 0xFF800000 : f32
    %broadcast_in_dim3A_129 = vector.broadcast %jit3A_128 : f32 to vector<2048x512xf32>
    %select_n3A_130 = arith.select %eq3A_127, %dot_general3A_124, %broadcast_in_dim3A_129 : vector<2048x512xi1>, vector<2048x512xf32>
    %reduce_max3A = arith.constant dense<0xFF800000> : vector<2048xf32>
    %reduce_max3A_131 = vector.multi_reduction <maximumf>, %select_n3A_130, %reduce_max3A [1] : vector<2048x512xf32> to vector<2048xf32>
    %broadcast_in_dim3A_132 = vector.shape_cast %reduce_max3A_131 : vector<2048xf32> to vector<2048x1xf32>
    %sub3A_133 = vector.broadcast %broadcast_in_dim3A_132 : vector<2048x1xf32> to vector<2048x512xf32>
    %sub3A_134 = arith.subf %select_n3A_130, %sub3A_133 : vector<2048x512xf32>
    %exp3A = math.exp %sub3A_134 : vector<2048x512xf32>
    %dot_general3A_135 = arith.constant dense<0.000000e+00> : vector<2048x64xf32>
    %dot_general3A_136 = tpu.matmul %exp3A, %select_n3A_40, %dot_general3A_135 {dimension_numbers = #tpu.dot_dimension_numbers<[1], [0], [0], [1], [0, 0, 1, 1], [], []>, transpose_lhs_hint = false} : vector<2048x512xf32>, vector<512x64xf32>, vector<2048x64xf32> -> vector<2048x64xf32>
    %reduce_sum3A = arith.constant dense<0.000000e+00> : vector<2048xf32>
    %reduce_sum3A_137 = vector.multi_reduction <add>, %exp3A, %reduce_sum3A [1] : vector<2048x512xf32> to vector<2048xf32>
    %broadcast_in_dim3A_138 = vector.shape_cast %reduce_sum3A_137 : vector<2048xf32> to vector<2048x1xf32>
    %div3A_139 = arith.constant 1.000000e+00 : f32
    %div3A_140 = vector.broadcast %div3A_139 : f32 to vector<2048x1xf32>
    %div3A_141 = arith.divf %div3A_140, %broadcast_in_dim3A_138 : vector<2048x1xf32>
    %mul3A = vector.broadcast %div3A_141 : vector<2048x1xf32> to vector<2048x64xf32>
    %mul3A_142 = arith.mulf %dot_general3A_136, %mul3A : vector<2048x64xf32>
    %get3A_143 = arith.constant 0 : index
    %get3A_144 = arith.constant 0 : index
    %get3A_145 = arith.constant 0 : index
    %get3A_146 = vector.load %arg5[%get3A_143, %get3A_144, %get3A_145] : memref<1x64x32xf32, #tpu.memory_space<vmem>>, vector<1x64x32xf32>
    %get3A_147 = vector.shape_cast %get3A_146 : vector<1x64x32xf32> to vector<64x32xf32>
    %dot_general3A_148 = arith.constant dense<0.000000e+00> : vector<2048x32xf32>
    %dot_general3A_149 = tpu.matmul %mul3A_142, %get3A_147, %dot_general3A_148 {dimension_numbers = #tpu.dot_dimension_numbers<[1], [0], [0], [1], [0, 0, 1, 1], [], []>, transpose_lhs_hint = false} : vector<2048x64xf32>, vector<64x32xf32>, vector<2048x32xf32> -> vector<2048x32xf32>
    %get3A_150 = arith.constant 0 : index
    %get3A_151 = arith.constant 0 : index
    %get3A_152 = arith.constant 0 : index
    %get3A_153 = vector.load %arg6[%get3A_150, %get3A_151, %get3A_152] : memref<1x32x768xf32, #tpu.memory_space<vmem>>, vector<1x32x768xf32>
    %get3A_154 = vector.shape_cast %get3A_153 : vector<1x32x768xf32> to vector<32x768xf32>
    %get3A_155 = arith.constant 0 : index
    %get3A_156 = arith.constant 0 : index
    %get3A_157 = vector.load %arg7[%get3A_155, %get3A_156] : memref<768x768xf32, #tpu.memory_space<vmem>>, vector<768x768xf32>
    %dot_general3A_158 = arith.constant dense<0.000000e+00> : vector<32x768xf32>
    %dot_general3A_159 = tpu.matmul %get3A_154, %get3A_157, %dot_general3A_158 {dimension_numbers = #tpu.dot_dimension_numbers<[1], [0], [0], [1], [0, 0, 1, 1], [], []>, transpose_lhs_hint = false} : vector<32x768xf32>, vector<768x768xf32>, vector<32x768xf32> -> vector<32x768xf32>
    %dot_general3A_160 = arith.constant dense<0.000000e+00> : vector<2048x768xf32>
    %dot_general3A_161 = tpu.matmul %dot_general3A_149, %dot_general3A_159, %dot_general3A_160 {dimension_numbers = #tpu.dot_dimension_numbers<[1], [0], [0], [1], [0, 0, 1, 1], [], []>, transpose_lhs_hint = false} : vector<2048x32xf32>, vector<32x768xf32>, vector<2048x768xf32> -> vector<2048x768xf32>
    %eq3A_162 = arith.constant 0 : i32
    %eq3A_163 = arith.cmpi eq, %arg0, %eq3A_162 : i32
    %convert_element_type3A_164 = arith.extui %eq3A_163 : i1 to i32
    %cond3A = arith.constant 0 : i32
    %cond3A_165 = arith.cmpi ne, %convert_element_type3A_164, %cond3A : i32
    scf.if %cond3A_165 {
      %get3A_171 = arith.constant 0 : index
      %get3A_172 = arith.constant 0 : index
      %get3A_173 = vector.load %arg8[%get3A_171, %get3A_172] : memref<1x768xf32, #tpu.memory_space<vmem>>, vector<1x768xf32>
      %add3A_174 = vector.broadcast %get3A_173 : vector<1x768xf32> to vector<2048x768xf32>
      %add3A_175 = arith.addf %dot_general3A_161, %add3A_174 : vector<2048x768xf32>
      %swap3A = arith.constant 0 : index
      %swap3A_176 = arith.constant 0 : index
      %swap3A_177 = vector.load %arg9[%swap3A, %swap3A_176] : memref<2048x768xf32, #tpu.memory_space<vmem>>, vector<2048x768xf32>
      tpu.vector_store %arg9[%swap3A, %swap3A_176], %add3A_175 {strides = array<i32>} : memref<2048x768xf32, #tpu.memory_space<vmem>>, vector<2048x768xf32>,
    } else {
    }
    %ne3A_166 = arith.constant 0 : i32
    %ne3A_167 = arith.cmpi ne, %arg0, %ne3A_166 : i32
    %convert_element_type3A_168 = arith.extui %ne3A_167 : i1 to i32
    %cond3A_169 = arith.constant 0 : i32
    %cond3A_170 = arith.cmpi ne, %convert_element_type3A_168, %cond3A_169 : i32
    scf.if %cond3A_170 {
      %get3A_171 = arith.constant 0 : index
      %get3A_172 = arith.constant 0 : index
      %get3A_173 = vector.load %arg9[%get3A_171, %get3A_172] : memref<2048x768xf32, #tpu.memory_space<vmem>>, vector<2048x768xf32>
      %add3A_174 = arith.addf %get3A_173, %dot_general3A_161 : vector<2048x768xf32>
      %swap3A = arith.constant 0 : index
      %swap3A_175 = arith.constant 0 : index
      %swap3A_176 = vector.load %arg9[%swap3A, %swap3A_175] : memref<2048x768xf32, #tpu.memory_space<vmem>>, vector<2048x768xf32>
      tpu.vector_store %arg9[%swap3A, %swap3A_175], %add3A_174 {strides = array<i32>} : memref<2048x768xf32, #tpu.memory_space<vmem>>, vector<2048x768xf32>,
    } else {
    }
    return
  }
  func.func @transform_0(%arg0: i32) -> (i32, i32, i32) {
    %c0_i32 = arith.constant 0 : i32
    %c0_i32_0 = arith.constant 0 : i32
    %c0_i32_1 = arith.constant 0 : i32
    return %arg0, %c0_i32, %c0_i32_0 : i32, i32, i32
  }
  func.func @transform_1(%arg0: i32) -> (i32, i32, i32) {
    %c0_i32 = arith.constant 0 : i32
    %c0_i32_0 = arith.constant 0 : i32
    %c0_i32_1 = arith.constant 0 : i32
    return %arg0, %c0_i32, %c0_i32_0 : i32, i32, i32
  }
  func.func @transform_2(%arg0: i32) -> (i32, i32, i32) {
    %c0_i32 = arith.constant 0 : i32
    %c0_i32_0 = arith.constant 0 : i32
    %c0_i32_1 = arith.constant 0 : i32
    return %arg0, %c0_i32, %c0_i32_0 : i32, i32, i32
  }
  func.func @transform_3(%arg0: i32) -> (i32, i32, i32) {
    %c0_i32 = arith.constant 0 : i32
    %c0_i32_0 = arith.constant 0 : i32
    %c0_i32_1 = arith.constant 0 : i32
    return %arg0, %c0_i32, %c0_i32_0 : i32, i32, i32
  }
  func.func @transform_4(%arg0: i32) -> (i32, i32, i32) {
    %c0_i32 = arith.constant 0 : i32
    %c0_i32_0 = arith.constant 0 : i32
    %c0_i32_1 = arith.constant 0 : i32
    return %arg0, %c0_i32, %c0_i32_0 : i32, i32, i32
  }
  func.func @transform_5(%arg0: i32) -> (i32, i32, i32) {
    %c0_i32 = arith.constant 0 : i32
    %c0_i32_0 = arith.constant 0 : i32
    %c0_i32_1 = arith.constant 0 : i32
    return %arg0, %c0_i32, %c0_i32_0 : i32, i32, i32
  }
  func.func @transform_6(%arg0: i32) -> (i32, i32) {
    %c0_i32 = arith.constant 0 : i32
    %c0_i32_0 = arith.constant 0 : i32
    return %arg0, %c0_i32 : i32, i32
  }
  func.func @transform_7(%arg0: i32) -> (i32, i32) {
    %c0_i32 = arith.constant 0 : i32
    %c0_i32_0 = arith.constant 0 : i32
    %c0_i32_1 = arith.constant 0 : i32
    return %c0_i32, %c0_i32_0 : i32, i32
  }
  func.func @transform_8(%arg0: i32) -> (i32, i32) {
    %c0_i32 = arith.constant 0 : i32
    %c0_i32_0 = arith.constant 0 : i32
    %c0_i32_1 = arith.constant 0 : i32
    return %c0_i32, %c0_i32_0 : i32, i32
  }
}

</mosaic_0001>

<sc_bundles>
// kernel: kernel.6.cloned.1.call-start
scs
__scs_entry_jumppad:
0x0: {  	(pc) =	sbr.rel $0x88, $3  }
0x1: {  	(tag) =	ssettag $0x0;
	lr =	simm.s32 $0x1  }
0x2: {  	[smem:$0x3F91] =	sst lr;
	_ =	strace $0xD0000000  }
0x3: {  	_ = 	snop  }
0x4: {  	_ = 	snop  }
0x5: {  	_ = 	snop  }
0x6: {  	_ = 	snop  }
0x7: {  	_ = 	snop  }
__scs_overlays_trampoline_lowered:
0x8: {  	[smem:$0x3FA0] =	sst s0  }
0x9: {  	[smem:$0x3FA1] =	sst s1  }
0xa: {  	[smem:$0x3FA2] =	sst s2  }
0xb: {  	[smem:$0x3FA3] =	sst s3  }
0xc: {  	[smem:$0x3FA4] =	sst s4  }
0xd: {  	[smem:$0x3FA5] =	sst s5  }
0xe: {  	[smem:$0x3FA6] =	sst s6  }
0xf: {  	[smem:$0x3FA7] =	sst s7  }
0x10: {  	[smem:$0x3FA8] =	sst s8  }
0x11: {  	[smem:$0x3FA9] =	sst s9;
	s0 =	simm.s32 @!p0 $0x0  }
0x12: {  	s1 =	sld [smem:$0x3F8F];
	s0 =	simm.s32 @p0 $0x1  }
0x13: {  	[smem:$0x3FAA] =	sst s0;
	s0 =	simm.s32 @!p1 $0x0  }
0x14: {  	s2 =	sld [smem:$0x3F8E];
	s0 =	simm.s32 @p1 $0x1  }
0x15: {  	[smem:$0x3FAB] =	sst s0;
	s0 =	simm.s32 @!p2 $0x0  }
0x16: {  	s3 =	sld [smem:$0x3FDB];
	s0 =	simm.s32 @p2 $0x1  }
0x17: {  	s4 =	simm.s32 $0x1BF5;
	[smem:$0x3FAD] =	sst s0  }
0x18: {  	s0 =	sld [smem:$0x3F90];
	_ =	swait.ge [sflag:s4], $0x0  }
0x19: {  	s7 =	sld [smem:$0x3F91]  }
0x1a: {  	s8 =	sadd.s32 $0xFFFFE003, lr  }
0x1b: {  	s9 =	sadd.s32 $0xFFFFFEF7, lr;
	s5 =	simm.s32 $0xFFFFFFFF;
	p2 =	slt.u32 s8, $0xFFFFF086  }
0x1c: {  	p1 =	slt.u32 s9, $0xF7A;
	s5 =	simm.s32 @!p2 $0x0  }
0x1d: {  	s5 =	simm.s32 @p1 $0x1;
	p0 =	seq.s32 s7, s2  }
0x1e: {  	s7 =	smul.u32 @!p0 $0xF7A, s2;
	p2 =	seq.s32 @!p0 s5, $0x0  }
0x1f: {  	s9 =	smul.u32 $0xF7A, s1;
	s8 =	simm.s32 @!p0 $0x1BF5;
	p2 =	por !p2, p0  }
0x20: {  	[sflag:s8] =	ssyncset.s32 @!p0 $0xFFFFF086;
	s6 =	sadd.s32 @!p0 s3, s7;
	s7 =	simm.s32 @!p0 $0x108  }
0x21: {  	s3 =	sadd.s32 s3, s9;
	s6 =	sadd.s32 @!p0 $0x88, s6;
	s7 =	simm.s32 @p2 $0x1082  }
0x22: {  	[simem:s7], [sflag:s8] =	dma.local @!p0 [hbm:s6], $0xF7A  }
0x23: {  	s9 =	sor.u32 $0xD0000000, s2;
	s6 =	simm.s32 $0x108;
	_ =	swait.ge @!p0 [sflag:s8], $0x0  }
0x24: {  	s3 =	sadd.s32 $0x88, s3;
	s6 =	simm.s32 @!p1 $0x1082;
	[sflag:s4] =	ssyncset.s32 $0xFFFFF086  }
0x25: {  	[simem:s6], [sflag:s4] =	dma.local [hbm:s3], $0xF7A  }
0x26: {  	[smem:$0x3F91] =	sst s1;
	(tag) =	ssettag s2;
	_ =	strace s9  }
0x27: {  	s1 =	sld [smem:$0x3FA1]  }
0x28: {  	s2 =	sld [smem:$0x3FA2]  }
0x29: {  	s4 =	sld [smem:$0x3FA4]  }
0x2a: {  	p0 =	seq.s32 s5, $0x0;
	s5 =	sld [smem:$0x3FA5]  }
0x2b: {  	s6 =	sld [smem:$0x3FA6]  }
0x2c: {  	s7 =	sld [smem:$0x3FA7]  }
0x2d: {  	s3 =	simm.s32 $0x108;
	s8 =	sld [smem:$0x3FA8]  }
0x2e: {  	s3 =	simm.s32 @!p0 $0x1082;
	s9 =	sld [smem:$0x3FA9]  }
0x2f: {  	lr =	sadd.s32 s0, s3;
	s0 =	sld [smem:$0x3FA0]  }
0x30: {  	s3 =	sld [smem:$0x3FA3]  }
0x31: {  	[smem:$0x3FAC] =	sst s10  }
0x32: {  	s10 =	sld [smem:$0x3FAA];
	_ =	sdelay $0x3  }
0x33: {  	p0 =	seq.s32 s10, $0x1;
	s10 =	sld [smem:$0x3FAC];
	_ =	sdelay $0x3  }
0x34: {  	[smem:$0x3FAC] =	sst s10  }
0x35: {  	s10 =	sld [smem:$0x3FAB];
	_ =	sdelay $0x3  }
0x36: {  	p1 =	seq.s32 s10, $0x1;
	s10 =	sld [smem:$0x3FAC];
	_ =	sdelay $0x3  }
0x37: {  	[smem:$0x3FAC] =	sst s10  }
0x38: {  	s10 =	sld [smem:$0x3FAD]  }
0x39: {  	_ = 	snop;
	(pc) =	sbr.ind lr, $3  }
0x3a: {  	_ = 	snop  }
0x3b: {  	_ = 	snop  }
0x3c: {  	p2 =	seq.s32 s10, $0x1;
	s10 =	sld [smem:$0x3FAC]  }
0x3d: {  	_ =	shalt  }
0x3e: {  	_ =	shalt  }
0x3f: {  	_ =	shalt  }
0x40: {  	_ =	shalt  }
0x41: {  	_ =	shalt  }
0x42: {  	_ =	shalt  }
0x43: {  	_ =	shalt  }
0x44: {  	_ =	shalt  }
0x45: {  	_ =	shalt  }
0x46: {  	_ =	shalt  }
0x47: {  	_ =	shalt  }
0x48: {  	_ =	shalt  }
0x49: {  	_ =	shalt  }
0x4a: {  	_ =	shalt  }
0x4b: {  	_ =	shalt  }
0x4c: {  	_ =	shalt  }
0x4d: {  	_ =	shalt  }
0x4e: {  	_ =	shalt  }
0x4f: {  	_ =	shalt  }
0x50: {  	_ =	shalt  }
0x51: {  	_ =	shalt  }
0x52: {  	_ =	shalt  }
0x53: {  	_ =	shalt  }
0x54: {  	_ =	shalt  }
0x55: {  	_ =	shalt  }
0x56: {  	_ =	shalt  }
0x57: {  	_ =	shalt  }
0x58: {  	_ =	shalt  }
0x59: {  	_ =	shalt  }
0x5a: {  	_ =	shalt  }
0x5b: {  	_ =	shalt  }
0x5c: {  	_ =	shalt  }
0x5d: {  	_ =	shalt  }
0x5e: {  	_ =	shalt  }
0x5f: {  	_ =	shalt  }
0x60: {  	_ =	shalt  }
0x61: {  	_ =	shalt  }
0x62: {  	_ =	shalt  }
0x63: {  	_ =	shalt  }
0x64: {  	_ =	shalt  }
0x65: {  	_ =	shalt  }
0x66: {  	_ =	shalt  }
0x67: {  	_ =	shalt  }
0x68: {  	_ =	shalt  }
0x69: {  	_ =	shalt  }
0x6a: {  	_ =	shalt  }
0x6b: {  	_ =	shalt  }
0x6c: {  	_ =	shalt  }
0x6d: {  	_ =	shalt  }
0x6e: {  	_ =	shalt  }
0x6f: {  	_ =	shalt  }
0x70: {  	_ =	shalt  }
0x71: {  	_ =	shalt  }
0x72: {  	_ =	shalt  }
0x73: {  	_ =	shalt  }
0x74: {  	_ =	shalt  }
0x75: {  	_ =	shalt  }
0x76: {  	_ =	shalt  }
0x77: {  	_ =	shalt  }
0x78: {  	_ =	shalt  }
0x79: {  	_ =	shalt  }
0x7a: {  	_ =	shalt  }
0x7b: {  	_ =	shalt  }
0x7c: {  	_ =	shalt  }
0x7d: {  	_ =	shalt  }
0x7e: {  	_ =	shalt  }
0x7f: {  	_ =	shalt  }
0x80: {  	_ =	shalt  }
0x81: {  	_ =	shalt  }
0x82: {  	_ =	shalt  }
0x83: {  	_ =	shalt  }
0x84: {  	_ =	shalt  }
0x85: {  	_ =	shalt  }
0x86: {  	_ =	shalt  }
0x87: {  	_ =	shalt  }
.Lfunc_end0:
.L_simem_size_0:
called_computation_lowered:
.L_overlay_start_0:
0x88: {  	s2 =	sld [smem:$0x3FD9]  }
0x89: {  	s3 =	sld [smem:$0x3FFE];
	_ =	sdelay $0x1  }
0x8a: {  	s1 =	srdreg.scid  }
0x8b: {  	s0 =	sand.u32 $0x1, s1  }
0x8c: {  	s17 =	sshll.u32 s0, $0xA;
	s2 =	sadd.s32 s3, s2  }
0x8d: {  	s2 =	sadd.s32 s2, s17  }
0x8e: {  	[smem:$0x3FB8] =	sst s2  }
0x8f: {  	_ = 	snop  }
0x90: {  	s2 =	sld [smem:$0x3FD0];
	(tm) =	ssettm $0x1  }
0x91: {  	s18 =	sld [smem:$0x3FFB];
	_ =	sdelay $0x3  }
0x92: {  	_ =	strace s18  }
0x93: {  	s3 =	sld [smem:$0x3FFC];
	_ =	sdelay $0x3  }
0x94: {  	_ =	strace s3  }
0x95: {  	s3 =	sld [smem:$0x3FFD];
	_ =	sdelay $0x3  }
0x96: {  	_ =	strace s3  }
0x97: {  	_ =	strace $0x8FFFFFFF  }
0x98: {  	s19 =	sld [smem:$0x3FDB];
	_ =	sdelay $0x1  }
0x99: {  	s4 =	simm.s32 $_scs_section_size  }
0x9a: {  	s5 =	simm.s32 $_size__tile_overlayer_lowered;
	s6 =	simm.s32 $_tile_overlayer_lowered  }
0x9b: {  	s22 =	simm.s32 $0x1BFF;
	s21 =	sshll.u32 s6, $0x1;
	s3 =	sadd.s32 s4, s19  }
0x9c: {  	s7 =	simm.s32 $0x0;
	s20 =	sshll.u32 s5, $0x1;
	s5 =	sadd.s32 s21, s3  }
0x9d: {  	[timem:s7], [sflag:s22] =	dma.local [hbm:s5], s20  }
0x9e: {  	_ =	swait.ge [sflag:s22], s20  }
0x9f: {  	s4 =	ssub.s32 $0x0, s20;
	[sflag:s22] =	ssyncset.done $0x0  }
0xa0: {  	[sflag:s22] =	ssyncadd.s32 s4;
	_ =	sdelay $0x1  }
0xa1: {  	s23 =	simm.s32 $0x1B8B  }
0xa2: {  	_ =	swait.ge [sflag:s23], $0x1  }
0xa3: {  	[sflag:s23] =	ssyncset.done $0x0  }
0xa4: {  	s25 =	simm.s32 $0x1B8E;
	s24 =	sld [smem:$0x3FFE];
	[sflag:s23] =	ssyncadd.s32 $0xFFFFFFFF  }
0xa5: {  	s26 =	simm.s32 $execute0_lowered;
	[smem:$0x3FD2] =	sst s25  }
0xa6: {  	s5 =	sshll.u32 s26, $0x1;
	_ =	strace $0x80000046;
	[dreg:$0x1] =	wrdreg $0xFFFFFFFF  }
0xa7: {  	s28 =	simm.s32 $_size_execute0_lowered;
	s3 =	sadd.s32 s3, s5;
	[dreg:$0x0] =	wrdreg $0x0  }
0xa8: {  	s5 =	sshll.u32 s28, $0x1;
	[dreg:$0x2] =	wrdreg s3  }
0xa9: {  	[dreg:$0x3] =	wrdreg s5  }
0xaa: {  	[dreg:$0x4] =	wrdreg $0xC0  }
0xab: {  	_ =	task [dreg:s7], $0x5FFFF  }
0xac: {  	[dreg:$0x1] =	wrdreg $0xFFFFFFFF  }
0xad: {  	[dreg:$0x0] =	wrdreg $0x60  }
0xae: {  	[dreg:$0x2] =	wrdreg s24  }
0xaf: {  	[dreg:$0x3] =	wrdreg s2  }
0xb0: {  	[dreg:$0x4] =	wrdreg $0x9  }
0xb1: {  	_ =	task.clear_ibuf [dreg:s7], $0x5FFFF;
	_ =	strace $0x90000046  }
0xb2: {  	s29 =	simm.s32 $0x9;
	_ =	strace $0x80000048  }
0xb3: {  	_ =	swait.ge [sflag:s29], $0x1  }
0xb4: {  	[sflag:s29] =	ssyncadd.s32 $0xFFFFFFFF  }
0xb5: {  	_ =	strace $0x90000048  }
0xb6: {  	_ =	sfence  }
0xb7: {  	s30 =	sld [smem:$0x0];
	_ =	sdelay $0x2  }
0xb8: {  	s31 =	sshll.u32 s1, $0xD;
	s1 =	sshrl.u32 s1, $0x2  }
0xb9: {  	s3 =	sand.u32 $0x4000, s31;
	s1 =	sadd.s32 s1, s30  }
0xba: {  	s0 =	sor.u32 s3, s0;
	s1 =	sshll.u32 s1, $0x11  }
0xbb: {  	s0 =	sor.u32 s1, s0  }
0xbc: {  	s0 =	sadd.s32 $0x8F2B, s0  }
0xbd: {  	[sflag:s0] =	ssyncadd.remote.s32 $0x1  }
0xbe: {  	_ =	sfence.sel $0xFFFF  }
0xbf: {  	[dreg:$0x0] =	wrdreg $0xFFFFFFFF;
	(pc) =	sbr.abs _section_cstart, $3  }
0xc0: {  	[dreg:$0x1] =	wrdreg $0xFFFFFFFF  }
0xc1: {  	_ =	task.clear_ibuf [dreg:s7], $0x2FFFF;
	_ =	strace $0x9FFFFFFF  }
0xc2: {  	(tm) =	ssettm $0x7FFFFFFF  }
0xc3: {  	_ =	shalt  }
tec
execute0_lowered:
.L_overlay_start_1:
0x0: {  	(tag) =	ssettag $0x1  }
0x1: {  	s1 =	srdreg.scid  }
0x2: {  	s0 =	stileid.u32;
	s6 =	sand.u32 $0x1, s1  }
0x3: {  	s5 =	rddreg [dreg:$0x0];
	s30 =	sshll.u32 s0, $0x8;
	s2 =	sshll.u32 s6, $0x7  }
0x4: {  	s8 =	rddreg [dreg:$0x1];
	s9 =	sor.u32 s2, s30  }
0x5: {  	s1 =	rddreg [dreg:$0x2];
	s2 =	simm.s32 $0x0;
	s3 =	sshrl.u32 s9, $0x3  }
0x6: {  	s10 =	ssub.s32 $0x2, s6;
	[smem:$0x7FF] =	sst s2;
	s3 =	sadd.s32 s3, s5  }
0x7: {  	_ =	strace $0x80000047;
	s4 =	sadd.s32 $0x42A00, s3;
	s3 =	simm.s32 $0x2  }
0x8: {  	[tilespmem:s2], [sflag:$0x2] =	stream.linear.gather [hbm4b:s4+s2], $0x80, $0x38;
	[tilespmem:$0x4080] =	vst v63  }
0x9: {  	s7 =	simm.s32 $0x1;
	s11 =	sshrl.u32 s10, $0x1;
	_ =	swait.ge [sflag:s3], $0x80  }
0xa: {  	s6 =	simm.s32 $0x80;
	s10 =	ssub.s32 s10, s11;
	[sflag:s3] =	ssyncset.done $0x0  }
0xb: {  	s5 =	sadd.s32 $0x2A00, s5;
	s31 =	smax.u32 s10, $0x1;
	[sflag:s3] =	ssyncadd.s32 $0xFFFFFF80  }
0xc: {  	[tilespmem:s6], [sflag:$0x1] =	stream.indirect.gather [hbm4b:s5+s6], $0x80, s2, s6, $0xb8;
	[tilespmem:$0x4080] =	vst v63  }
0xd: {  	p0 =	sne.s32 s31, $0x1;
	_ =	swait.ge [sflag:s7], $0x4000  }
.Ltmp0:
0xe: {  	s9 =	sshll.u32 s9, $0x4;
	[sflag:s7] =	ssyncset.done $0x0;
	(pc) =	sbr.rel @!p0 .LBB2_2-.Ltmp0, $4  }
0xf: {  	s8 =	sadd.s32 s8, s9;
	[sflag:s7] =	ssyncadd.s32 $0xFFFFC000  }
0x10: {  	[hbm4b:s8+s2] =	stream.linear.scatter [tilespmem:s6], [sflag:$0x2], $0x4000, $0x38;
	[tilespmem:$0x4080] =	vst v63  }
0x11: {  	_ =	swait.ge [sflag:s3], $0x4000  }
0x12: {  	s9 =	sadd.s32 $0xFFFFFFFF, s31;
	[sflag:s3] =	ssyncset.done $0x0  }
.LBB2_1:
0x13: {  	p0 =	sne.s32 s9, $0x1;
	s9 =	sadd.s32 $0xFFFFFFFF, s9;
	[sflag:s3] =	ssyncadd.s32 $0xFFFFC000  }
0x14: {  	[tilespmem:s2], [sflag:$0x2] =	stream.linear.gather [hbm4b:s4+s2], $0x80, $0x38;
	[tilespmem:$0x4080] =	vst v63  }
0x15: {  	_ =	swait.ge [sflag:s3], $0x80  }
0x16: {  	[sflag:s3] =	ssyncset.done $0x0  }
0x17: {  	[sflag:s3] =	ssyncadd.s32 $0xFFFFFF80  }
0x18: {  	[tilespmem:s6], [sflag:$0x1] =	stream.indirect.gather [hbm4b:s5+s6], $0x80, s2, s6, $0xb8;
	[tilespmem:$0x4080] =	vst v63  }
0x19: {  	_ =	swait.ge [sflag:s7], $0x4000  }
.Ltmp1:
0x1a: {  	[sflag:s7] =	ssyncset.done $0x0;
	(pc) =	sbr.rel @p0 .LBB2_1-.Ltmp1, $4  }
0x1b: {  	[sflag:s7] =	ssyncadd.s32 $0xFFFFC000  }
0x1c: {  	[hbm4b:s8+s2] =	stream.linear.scatter [tilespmem:s6], [sflag:$0x2], $0x4000, $0x38;
	[tilespmem:$0x4080] =	vst v63  }
0x1d: {  	_ =	swait.ge [sflag:s3], $0x4000  }
0x1e: {  	[sflag:s3] =	ssyncset.done $0x0  }
.LBB2_2:
0x1f: {  	[sflag:s3] =	ssyncadd.s32 $0xFFFFC000  }
0x20: {  	_ =	sfence.sel $0x180000  }
0x21: {  	[bflag:$0x0] =	sbarrier.arrive $0xFFFF  }
0x22: {  	p0 =	sne.s32 s0, $0x0;
	_ =	strace $0x90000047  }
0x23: {  	s0 =	sadd.s32 @!p0 $0x100000, s1;
	[bflag:$0x2] =	sbarrier.arrive $0xFFFF  }
0x24: {  	[sflag:s0] =	ssyncadd.tile.s32 @!p0 $0x1;
	_ =	shalt  }
.Lfunc_end2:
_tile_overlayer_lowered:
.L_overlay_start_2:
0x25: {  	(tag) =	ssettag $0x2  }
0x26: {  	s0 =	rddreg [dreg:$0x0];
	s2 =	stileid.u32  }
0x27: {  	s1 =	rddreg [dreg:$0x1];
	p0 =	sne.s32 s2, $0x0  }
0x28: {  	s3 =	rddreg [dreg:$0x2];
	[bflag:$0x3] =	sbarrier.arrive $0xFFFF;
	s2 =	simm.s32 @!p0 $0x1C02  }
0x29: {  	[timem:s3], [sflag:s2] =	dma.local @!p0 [hbm:s0], s1  }
0x2a: {  	s0 =	simm.s32 @!p0 $0x2  }
0x2b: {  	_ =	swait.ge @!p0 [sflag:s0], s1  }
0x2c: {  	s1 =	ssub.s32 @!p0 $0x0, s1;
	[sflag:s0] =	ssyncset.done @!p0 $0x0  }
0x2d: {  	[sflag:s0] =	ssyncadd.s32 @!p0 s1  }
0x2e: {  	[bflag:$0x3] =	sbarrier.arrive $0xFFFF  }
0x2f: {  	_ =	shalt  }

</sc_bundles>
